<compile_context>
chip_gen: v7x
topology: tpu7x:2x2x1
jax: 0.10.2.dev20260603
libtpu: 0.0.44.dev20260713+nightly
codegen_flags: <defaults>
</compile_context>

<pallas_src>
import functools

import jax
import jax.numpy as jnp
from jax import lax
from jax.experimental import pallas as pl
from jax.experimental.pallas import tpu as pltpu
from jax.experimental.pallas import tpu_sc as plsc

T = 2048
M = 1024
E = 3
EP = 8
CAP = 683
CPAD = 688
EC = E * CPAD
DUMP = CAP
GL = 128



GBLK = 512
GN = T // GBLK


def _gating_body(x_ref, wg_ref, gm_ref, idx_ref, cnt_ref, laux_ref,
                 offs, me_acc):
    i = pl.program_id(0)

    @pl.when(i == 0)
    def _init():
        offs[...] = jnp.zeros_like(offs)
        me_acc[...] = jnp.zeros_like(me_acc)

    logits3 = jnp.dot(x_ref[...], wg_ref[...],
                      preferred_element_type=jnp.float32)
    col = lax.broadcasted_iota(jnp.int32, (GBLK, EP), 1)
    valid = col < E
    neg = jnp.float32(-1e30)
    logitsp = jnp.concatenate(
        [logits3, jnp.full((GBLK, EP - E), neg, jnp.float32)], axis=1)
    logits = jnp.where(valid, logitsp, neg)

    mx = jnp.max(logits, axis=1, keepdims=True)
    ex = jnp.exp(logits - mx)
    ex = jnp.where(valid, ex, 0.0)
    gates = ex * (1.0 / jnp.sum(ex, axis=1, keepdims=True))

    gmax = jnp.max(gates, axis=1, keepdims=True)
    iseq = jnp.logical_and(gates == gmax, valid)
    e_s = jnp.min(jnp.where(iseq, col, 999), axis=1, keepdims=True)
    mask1 = jnp.where(col == e_s, 1.0, 0.0)

    loc = mask1
    s = 1
    while s < GBLK:
        loc = loc + jnp.concatenate(
            [jnp.zeros((s, EP), loc.dtype), loc[:-s]], axis=0)
        s *= 2
    loc = loc - mask1 + offs[...]

    keep = mask1 * jnp.where(loc < CAP, 1.0, 0.0)
    gm = jnp.sum(gates * keep, axis=1, keepdims=True)
    c_s = jnp.sum(loc * keep, axis=1, keepdims=True)
    kept = jnp.sum(keep, axis=1, keepdims=True)
    slot = e_s.astype(jnp.float32) * CPAD + c_s
    gm_ref[...] = jnp.broadcast_to(gm, (GBLK, GL))
    idx_ref[...] = (kept * slot + (1.0 - kept) * DUMP).astype(jnp.int32)

    new_offs = offs[...] + jnp.sum(mask1, axis=0, keepdims=True)
    offs[...] = new_offs
    new_me = me_acc[...] + jnp.sum(gates, axis=0, keepdims=True)
    me_acc[...] = new_me

    @pl.when(i == GN - 1)
    def _fini():
        cnt_ref[...] = jnp.minimum(new_offs, float(CAP)).astype(jnp.int32)
        me = new_me / T
        ce = new_offs / T
        laux_ref[...] = jnp.sum(me * ce, axis=1, keepdims=True) * E


_gating_in_specs = [
    pl.BlockSpec((GBLK, M), lambda i: (i, 0)),
    pl.BlockSpec((M, E), lambda i: (0, 0)),
]
_gating_out_specs = [
    pl.BlockSpec((GBLK, GL), lambda i: (i, 0)),
    pl.BlockSpec((GBLK, 1), lambda i: (i, 0)),
    pl.BlockSpec((1, EP), lambda i: (0, 0)),
    pl.BlockSpec((1, 1), lambda i: (0, 0)),
]
_gating_out_shape = [
    jax.ShapeDtypeStruct((T, GL), jnp.float32),
    jax.ShapeDtypeStruct((T, 1), jnp.int32),
    jax.ShapeDtypeStruct((1, EP), jnp.int32),
    jax.ShapeDtypeStruct((1, 1), jnp.float32),
]
_gating_scratch = [
    pltpu.VMEM((1, EP), jnp.float32),
    pltpu.VMEM((1, EP), jnp.float32),
]

_gating = pl.pallas_call(
    _gating_body,
    grid=(GN,),
    in_specs=_gating_in_specs,
    out_specs=_gating_out_specs,
    out_shape=_gating_out_shape,
    scratch_shapes=_gating_scratch,
)



_NC = 2
_NS = 16
_NW = _NC * _NS
_ROWS_PER_W = T // _NW


def _dispatch_body(x_hbm, gm_hbm, idx_hbm, disp_hbm, gslot_hbm,
                   idx_v, rows_v, gm_v, sem, sem2):
    wid = lax.axis_index("s") * _NC + lax.axis_index("c")
    base = wid * _ROWS_PER_W
    pltpu.sync_copy(idx_hbm.at[pl.ds(base, _ROWS_PER_W)], idx_v)
    pltpu.sync_copy(x_hbm.at[0, pl.ds(base, _ROWS_PER_W)], rows_v)
    pltpu.sync_copy(gm_hbm.at[pl.ds(base, _ROWS_PER_W)], gm_v)
    row_cp = pltpu.async_copy(rows_v, disp_hbm.at[idx_v], sem)
    gm_cp = pltpu.async_copy(gm_v, gslot_hbm.at[idx_v], sem2)
    row_cp.wait()
    gm_cp.wait()


def _combine_body(eo_hbm, idx_hbm, out_hbm, idx_v, rows_v, sem):
    wid = lax.axis_index("s") * _NC + lax.axis_index("c")
    base = wid * _ROWS_PER_W
    pltpu.sync_copy(idx_hbm.at[pl.ds(base, _ROWS_PER_W)], idx_v)
    pltpu.async_copy(eo_hbm.at[idx_v], rows_v, sem).wait()
    pltpu.sync_copy(rows_v, out_hbm.at[pl.ds(base, _ROWS_PER_W)])


@functools.lru_cache(maxsize=None)
def _sc_kernels():
    mesh = plsc.VectorSubcoreMesh(
        core_axis_name="c", subcore_axis_name="s",
        num_cores=_NC, num_subcores=_NS,
    )
    dispatch = pl.kernel(
        _dispatch_body,
        out_type=[
            jax.ShapeDtypeStruct((EC, M), jnp.float32),
            jax.ShapeDtypeStruct((EC, GL), jnp.float32),
        ],
        mesh=mesh,
        scratch_types=[
            pltpu.VMEM((_ROWS_PER_W,), jnp.int32),
            pltpu.VMEM((_ROWS_PER_W, M), jnp.float32),
            pltpu.VMEM((_ROWS_PER_W, GL), jnp.float32),
            pltpu.SemaphoreType.DMA,
            pltpu.SemaphoreType.DMA,
        ],
    )
    combine = pl.kernel(
        _combine_body,
        out_type=jax.ShapeDtypeStruct((T, M), jnp.float32),
        mesh=mesh,
        scratch_types=[
            pltpu.VMEM((_ROWS_PER_W,), jnp.int32),
            pltpu.VMEM((_ROWS_PER_W, M), jnp.float32),
            pltpu.SemaphoreType.DMA,
        ],
    )
    return dispatch, combine



def _expert_body(cnt_ref, disp_ref, w_ref, b_ref, g_ref, out_ref):
    e = pl.program_id(0)
    cnt = cnt_ref[0, e]
    ri = lax.broadcasted_iota(jnp.int32, (CPAD, M), 0)
    xb = jnp.where(ri < cnt, disp_ref[...], 0.0)
    ri1 = lax.broadcasted_iota(jnp.int32, (CPAD, 1), 0)
    g = jnp.where(ri1 < cnt, g_ref[:, 0:1], 0.0)
    out_ref[...] = (
        jnp.dot(xb, w_ref[0], preferred_element_type=jnp.float32) + b_ref[0]
    ) * g


_expert_in_specs = [
    pl.BlockSpec(memory_space=pltpu.SMEM),
    pl.BlockSpec((CPAD, M), lambda e: (e, 0)),
    pl.BlockSpec((1, M, M), lambda e: (e, 0, 0)),
    pl.BlockSpec((1, 1, M), lambda e: (e, 0, 0)),
    pl.BlockSpec((CPAD, GL), lambda e: (e, 0)),
]
_expert_out_specs = pl.BlockSpec((CPAD, M), lambda e: (e, 0))

_expert_mm = pl.pallas_call(
    _expert_body,
    grid=(E,),
    in_specs=_expert_in_specs,
    out_specs=_expert_out_specs,
    out_shape=jax.ShapeDtypeStruct((EC, M), jnp.float32),
)


def kernel(features, wg, W, b):
    B, S, _ = features.shape
    x = features.reshape(T, M)
    dispatch, combine = _sc_kernels()
    gm, idx, counts, laux = _gating(x, wg)
    disp, gslot = dispatch(features, gm, idx.reshape(T))
    eo = _expert_mm(counts, disp, W, b.reshape(E, 1, M), gslot)
    comb = combine(eo, idx.reshape(T))
    return comb.reshape(B, S, M), laux[0, 0]

# --- scband reference (transcript-rebuilt; emitter-appended) ---
"""Pipeline reference for scband-type2-mo-e-6227702579635 (READ-ONLY COPY).

The authoritative reference and input builder live on the scoring server;
editing this copy changes nothing except your own understanding.
"""

import math
import jax, jax.numpy as jnp
import numpy as np

HIDDEN = 1024
NUM_EXPERTS = 3
CAPACITY_FACTOR = 1.0  # training-mode capacity factor from the module (capacity_factor=1)


def setup_inputs(seed: int = 0) -> dict:
    key = jax.random.key(seed)
    k1, k2, k3, k4 = jax.random.split(key, 4)
    features = jax.random.normal(k1, (1, 2048, HIDDEN), dtype=jnp.float32)
    # gate weight (TopKGate wg: Linear(d_model, num_experts, bias=False))
    wg = jax.random.normal(k2, (HIDDEN, NUM_EXPERTS), dtype=jnp.float32) * 0.02
    # expert Linear(hidden, hidden) replicated into E independent experts: W[e] is [in, out]
    W = jax.random.normal(k3, (NUM_EXPERTS, HIDDEN, HIDDEN), dtype=jnp.float32) * (1.0 / math.sqrt(HIDDEN))
    b = jax.random.normal(k4, (NUM_EXPERTS, HIDDEN), dtype=jnp.float32) * 0.01
    return {"features": features, "wg": wg, "W": W, "b": b}


def _moe_forward(features, wg, W, b):
    B, S, M = features.shape
    x = features.reshape(-1, M)
    tokens = x.shape[0]
    E = wg.shape[1]
    capacity = int(math.ceil(tokens / E * CAPACITY_FACTOR))  # static for jit

    # --- top-1 gating (deepspeed top1gating, deterministic token priority) ---
    logits = x @ wg
    gates = jax.nn.softmax(logits, axis=1)
    indices1_s = jnp.argmax(gates, axis=1)
    mask1 = jax.nn.one_hot(indices1_s, E, dtype=jnp.int32)

    # load-balancing aux loss
    me = jnp.mean(gates, axis=0)
    ce = jnp.mean(mask1.astype(jnp.float32), axis=0)
    l_aux = jnp.sum(me * ce) * E

    # capacity enforcement via cumulative position within each expert
    locations1 = jnp.cumsum(mask1, axis=0) - 1
    mask1 = mask1 * (locations1 < capacity).astype(jnp.int32)
    locations1_s = jnp.sum(locations1 * mask1, axis=1)
    mask1_f = mask1.astype(jnp.float32)
    gates_masked = gates * mask1_f  # dropped tokens -> 0 gate

    locations1_sc = jax.nn.one_hot(locations1_s, capacity, dtype=jnp.float32)
    combine_weights = jnp.einsum('se,sc->sec', gates_masked, locations1_sc)
    dispatch_mask = (combine_weights > 0).astype(jnp.float32)

    # --- dispatch / expert compute / combine ---
    dispatched = jnp.einsum('sec,sm->ecm', dispatch_mask, x)
    expert_out = jnp.einsum('ecm,emn->ecn', dispatched, W) + b[:, None, :]
    combined = jnp.einsum('sec,ecm->sm', combine_weights, expert_out)
    return combined.reshape(B, S, M), l_aux


def reference(features, wg, W, b):
    # returns (output, l_aux) matching (features[0], features[1]) of the torch module
    return _moe_forward(features, wg, W, b)

if __name__ == "__main__":
    import jax
    _d = setup_inputs()
    print(jax.jit(kernel)(*tuple(_d.values())))

</pallas_src>

<mosaic_0001>
#map = affine_map<(d0, d1) -> (0, 0)>
#map1 = affine_map<(d0, d1) -> (0)>
module attributes {stable_mosaic.version = 14 : i64} {
  func.func @_combine_body(%arg0: i32, %arg1: i32, %arg2: memref<2064x1024xf32, #tpu.memory_space<hbm>>, %arg3: memref<2048xi32, #tpu.memory_space<hbm>>, %arg4: memref<2048x1024xf32, #tpu.memory_space<hbm>>, %arg5: memref<64xi32, #tpu.memory_space<vmem>>, %arg6: memref<64x1024xf32, #tpu.memory_space<vmem>>, %arg7: memref<!tpu.dma_semaphore, #tpu.memory_space<semaphore_mem>>) attributes {dimension_semantics = [#tpu.dimension_semantics<core_parallel>, #tpu.dimension_semantics<subcore_parallel>], iteration_bounds = array<i64: 2, 16>, scalar_prefetch = 0 : i64, scratch_operands = 3 : i64, tpu.core_type = #tpu.core_type<sc_vector_subcore>, window_params = [{transform_indices = #map}, {transform_indices = #map1}, {transform_indices = #map}]} {
    %mul3A = arith.constant 2 : i32
    %mul3A_0 = arith.muli %arg1, %mul3A : i32
    %add3A = arith.addi %mul3A_0, %arg0 : i32
    %mul3A_1 = arith.constant 64 : i32
    %mul3A_2 = arith.muli %add3A, %mul3A_1 : i32
    "tpu.region"() ({
      %run_scoped3A = tpu.sem_alloc : memref<!tpu.dma_semaphore, #tpu.memory_space<semaphore_mem>>
      %dma_start3A_7 = tpu.memref_slice %arg3[%mul3A_2] : memref<2048xi32, #tpu.memory_space<hbm>> -> memref<64xi32, #tpu.memory_space<hbm>>
      %dma_start3A_8 = tpu.memref_slice %arg3[%mul3A_2] : memref<2048xi32, #tpu.memory_space<hbm>> -> memref<64xi32, #tpu.memory_space<hbm>>
      tpu.enqueue_dma source(%dma_start3A_8 : memref<64xi32, #tpu.memory_space<hbm>>) target(%arg5 : memref<64xi32, #tpu.memory_space<vmem>>) target_semaphore(%run_scoped3A : memref<!tpu.dma_semaphore, #tpu.memory_space<semaphore_mem>>)
      %dma_wait3A_9 = tpu.memref_slice %arg3[%mul3A_2] : memref<2048xi32, #tpu.memory_space<hbm>> -> memref<64xi32, #tpu.memory_space<hbm>>
      %dma_wait3A_10 = tpu.memref_slice %arg3[%mul3A_2] : memref<2048xi32, #tpu.memory_space<hbm>> -> memref<64xi32, #tpu.memory_space<hbm>>
      tpu.wait_dma2 semaphore(%run_scoped3A : memref<!tpu.dma_semaphore, #tpu.memory_space<semaphore_mem>>) src(%dma_wait3A_10 : memref<64xi32, #tpu.memory_space<hbm>>) dst(%arg5 : memref<64xi32, #tpu.memory_space<vmem>>)
      tpu.yield
    }) : () -> ()
    %dma_start3A = arith.constant 0 : i32
    %dma_start3A_3 = arith.constant 0 : i32
    %dma_start3A_4 = tpu.memref_slice %arg2[%dma_start3A, %dma_start3A_3] : memref<2064x1024xf32, #tpu.memory_space<hbm>> -> memref<2064x1024xf32, #tpu.memory_space<hbm>>
    tpu.enqueue_indirect_dma source(%dma_start3A_4 : memref<2064x1024xf32, #tpu.memory_space<hbm>>) target(%arg6 : memref<64x1024xf32, #tpu.memory_space<vmem>>) offsets(%arg5 : memref<64xi32, #tpu.memory_space<vmem>>) semaphore(%arg7 : memref<!tpu.dma_semaphore, #tpu.memory_space<semaphore_mem>>)
    %dma_wait3A = arith.constant 0 : i32
    %dma_wait3A_5 = arith.constant 0 : i32
    %dma_wait3A_6 = tpu.memref_slice %arg2[%dma_wait3A, %dma_wait3A_5] : memref<2064x1024xf32, #tpu.memory_space<hbm>> -> memref<2064x1024xf32, #tpu.memory_space<hbm>>
    tpu.wait_indirect_dma semaphore(%arg7 : memref<!tpu.dma_semaphore, #tpu.memory_space<semaphore_mem>>) src(%dma_wait3A_6 : memref<2064x1024xf32, #tpu.memory_space<hbm>>) dst(%arg6 : memref<64x1024xf32, #tpu.memory_space<vmem>>)
    "tpu.region"() ({
      %run_scoped3A = tpu.sem_alloc : memref<!tpu.dma_semaphore, #tpu.memory_space<semaphore_mem>>
      %dma_start3A_7 = arith.constant 0 : i32
      %dma_start3A_8 = tpu.memref_slice %arg4[%mul3A_2, %dma_start3A_7] : memref<2048x1024xf32, #tpu.memory_space<hbm>> -> memref<64x1024xf32, #tpu.memory_space<hbm>>
      %dma_start3A_9 = arith.constant 0 : i32
      %dma_start3A_10 = tpu.memref_slice %arg4[%mul3A_2, %dma_start3A_9] : memref<2048x1024xf32, #tpu.memory_space<hbm>> -> memref<64x1024xf32, #tpu.memory_space<hbm>>
      tpu.enqueue_dma source(%arg6 : memref<64x1024xf32, #tpu.memory_space<vmem>>) target(%dma_start3A_10 : memref<64x1024xf32, #tpu.memory_space<hbm>>) target_semaphore(%run_scoped3A : memref<!tpu.dma_semaphore, #tpu.memory_space<semaphore_mem>>)
      %dma_wait3A_11 = arith.constant 0 : i32
      %dma_wait3A_12 = tpu.memref_slice %arg4[%mul3A_2, %dma_wait3A_11] : memref<2048x1024xf32, #tpu.memory_space<hbm>> -> memref<64x1024xf32, #tpu.memory_space<hbm>>
      %dma_wait3A_13 = arith.constant 0 : i32
      %dma_wait3A_14 = tpu.memref_slice %arg4[%mul3A_2, %dma_wait3A_13] : memref<2048x1024xf32, #tpu.memory_space<hbm>> -> memref<64x1024xf32, #tpu.memory_space<hbm>>
      tpu.wait_dma2 semaphore(%run_scoped3A : memref<!tpu.dma_semaphore, #tpu.memory_space<semaphore_mem>>) src(%arg6 : memref<64x1024xf32, #tpu.memory_space<vmem>>) dst(%dma_wait3A_14 : memref<64x1024xf32, #tpu.memory_space<hbm>>)
      tpu.yield
    }) : () -> ()
    return
  }
}

#map = affine_map<(d0, d1) -> (0, 0, 0)>
#map1 = affine_map<(d0, d1) -> (0, 0)>
#map2 = affine_map<(d0, d1) -> (0)>
module attributes {stable_mosaic.version = 14 : i64} {
  func.func @_dispatch_body(%arg0: i32, %arg1: i32, %arg2: memref<1x2048x1024xf32, #tpu.memory_space<hbm>>, %arg3: memref<2048x128xf32, #tpu.memory_space<hbm>>, %arg4: memref<2048xi32, #tpu.memory_space<hbm>>, %arg5: memref<2064x1024xf32, #tpu.memory_space<hbm>>, %arg6: memref<2064x128xf32, #tpu.memory_space<hbm>>, %arg7: memref<64xi32, #tpu.memory_space<vmem>>, %arg8: memref<64x1024xf32, #tpu.memory_space<vmem>>, %arg9: memref<64x128xf32, #tpu.memory_space<vmem>>, %arg10: memref<!tpu.dma_semaphore, #tpu.memory_space<semaphore_mem>>, %arg11: memref<!tpu.dma_semaphore, #tpu.memory_space<semaphore_mem>>) attributes {dimension_semantics = [#tpu.dimension_semantics<core_parallel>, #tpu.dimension_semantics<subcore_parallel>], iteration_bounds = array<i64: 2, 16>, scalar_prefetch = 0 : i64, scratch_operands = 5 : i64, tpu.core_type = #tpu.core_type<sc_vector_subcore>, window_params = [{transform_indices = #map}, {transform_indices = #map1}, {transform_indices = #map2}, {transform_indices = #map1}, {transform_indices = #map1}]} {
    %mul3A = arith.constant 2 : i32
    %mul3A_0 = arith.muli %arg1, %mul3A : i32
    %add3A = arith.addi %mul3A_0, %arg0 : i32
    %mul3A_1 = arith.constant 64 : i32
    %mul3A_2 = arith.muli %add3A, %mul3A_1 : i32
    "tpu.region"() ({
      %run_scoped3A_13 = tpu.sem_alloc : memref<!tpu.dma_semaphore, #tpu.memory_space<semaphore_mem>>
      %dma_start3A_14 = tpu.memref_slice %arg4[%mul3A_2] : memref<2048xi32, #tpu.memory_space<hbm>> -> memref<64xi32, #tpu.memory_space<hbm>>
      %dma_start3A_15 = tpu.memref_slice %arg4[%mul3A_2] : memref<2048xi32, #tpu.memory_space<hbm>> -> memref<64xi32, #tpu.memory_space<hbm>>
      tpu.enqueue_dma source(%dma_start3A_15 : memref<64xi32, #tpu.memory_space<hbm>>) target(%arg7 : memref<64xi32, #tpu.memory_space<vmem>>) target_semaphore(%run_scoped3A_13 : memref<!tpu.dma_semaphore, #tpu.memory_space<semaphore_mem>>)
      %dma_wait3A_16 = tpu.memref_slice %arg4[%mul3A_2] : memref<2048xi32, #tpu.memory_space<hbm>> -> memref<64xi32, #tpu.memory_space<hbm>>
      %dma_wait3A_17 = tpu.memref_slice %arg4[%mul3A_2] : memref<2048xi32, #tpu.memory_space<hbm>> -> memref<64xi32, #tpu.memory_space<hbm>>
      tpu.wait_dma2 semaphore(%run_scoped3A_13 : memref<!tpu.dma_semaphore, #tpu.memory_space<semaphore_mem>>) src(%dma_wait3A_17 : memref<64xi32, #tpu.memory_space<hbm>>) dst(%arg7 : memref<64xi32, #tpu.memory_space<vmem>>)
      tpu.yield
    }) : () -> ()
    %run_scoped3A = arith.constant 0 : i32
    "tpu.region"() ({
      %run_scoped3A_13 = tpu.sem_alloc : memref<!tpu.dma_semaphore, #tpu.memory_space<semaphore_mem>>
      %dma_start3A_14 = arith.constant 0 : i32
      %dma_start3A_15 = tpu.memref_slice %arg2[%run_scoped3A, %mul3A_2, %dma_start3A_14] : memref<1x2048x1024xf32, #tpu.memory_space<hbm>> -> memref<1x64x1024xf32, #tpu.memory_space<hbm>>
      %dma_start3A_16 = tpu.memref_squeeze %dma_start3A_15 : memref<1x64x1024xf32, #tpu.memory_space<hbm>> -> memref<64x1024xf32, #tpu.memory_space<hbm>>
      %dma_start3A_17 = arith.constant 0 : i32
      %dma_start3A_18 = tpu.memref_slice %arg2[%run_scoped3A, %mul3A_2, %dma_start3A_17] : memref<1x2048x1024xf32, #tpu.memory_space<hbm>> -> memref<1x64x1024xf32, #tpu.memory_space<hbm>>
      %dma_start3A_19 = tpu.memref_squeeze %dma_start3A_18 : memref<1x64x1024xf32, #tpu.memory_space<hbm>> -> memref<64x1024xf32, #tpu.memory_space<hbm>>
      tpu.enqueue_dma source(%dma_start3A_19 : memref<64x1024xf32, #tpu.memory_space<hbm>>) target(%arg8 : memref<64x1024xf32, #tpu.memory_space<vmem>>) target_semaphore(%run_scoped3A_13 : memref<!tpu.dma_semaphore, #tpu.memory_space<semaphore_mem>>)
      %dma_wait3A_20 = arith.constant 0 : i32
      %dma_wait3A_21 = tpu.memref_slice %arg2[%run_scoped3A, %mul3A_2, %dma_wait3A_20] : memref<1x2048x1024xf32, #tpu.memory_space<hbm>> -> memref<1x64x1024xf32, #tpu.memory_space<hbm>>
      %dma_wait3A_22 = tpu.memref_squeeze %dma_wait3A_21 : memref<1x64x1024xf32, #tpu.memory_space<hbm>> -> memref<64x1024xf32, #tpu.memory_space<hbm>>
      %dma_wait3A_23 = arith.constant 0 : i32
      %dma_wait3A_24 = tpu.memref_slice %arg2[%run_scoped3A, %mul3A_2, %dma_wait3A_23] : memref<1x2048x1024xf32, #tpu.memory_space<hbm>> -> memref<1x64x1024xf32, #tpu.memory_space<hbm>>
      %dma_wait3A_25 = tpu.memref_squeeze %dma_wait3A_24 : memref<1x64x1024xf32, #tpu.memory_space<hbm>> -> memref<64x1024xf32, #tpu.memory_space<hbm>>
      tpu.wait_dma2 semaphore(%run_scoped3A_13 : memref<!tpu.dma_semaphore, #tpu.memory_space<semaphore_mem>>) src(%dma_wait3A_25 : memref<64x1024xf32, #tpu.memory_space<hbm>>) dst(%arg8 : memref<64x1024xf32, #tpu.memory_space<vmem>>)
      tpu.yield
    }) : () -> ()
    "tpu.region"() ({
      %run_scoped3A_13 = tpu.sem_alloc : memref<!tpu.dma_semaphore, #tpu.memory_space<semaphore_mem>>
      %dma_start3A_14 = arith.constant 0 : i32
      %dma_start3A_15 = tpu.memref_slice %arg3[%mul3A_2, %dma_start3A_14] : memref<2048x128xf32, #tpu.memory_space<hbm>> -> memref<64x128xf32, #tpu.memory_space<hbm>>
      %dma_start3A_16 = arith.constant 0 : i32
      %dma_start3A_17 = tpu.memref_slice %arg3[%mul3A_2, %dma_start3A_16] : memref<2048x128xf32, #tpu.memory_space<hbm>> -> memref<64x128xf32, #tpu.memory_space<hbm>>
      tpu.enqueue_dma source(%dma_start3A_17 : memref<64x128xf32, #tpu.memory_space<hbm>>) target(%arg9 : memref<64x128xf32, #tpu.memory_space<vmem>>) target_semaphore(%run_scoped3A_13 : memref<!tpu.dma_semaphore, #tpu.memory_space<semaphore_mem>>)
      %dma_wait3A_18 = arith.constant 0 : i32
      %dma_wait3A_19 = tpu.memref_slice %arg3[%mul3A_2, %dma_wait3A_18] : memref<2048x128xf32, #tpu.memory_space<hbm>> -> memref<64x128xf32, #tpu.memory_space<hbm>>
      %dma_wait3A_20 = arith.constant 0 : i32
      %dma_wait3A_21 = tpu.memref_slice %arg3[%mul3A_2, %dma_wait3A_20] : memref<2048x128xf32, #tpu.memory_space<hbm>> -> memref<64x128xf32, #tpu.memory_space<hbm>>
      tpu.wait_dma2 semaphore(%run_scoped3A_13 : memref<!tpu.dma_semaphore, #tpu.memory_space<semaphore_mem>>) src(%dma_wait3A_21 : memref<64x128xf32, #tpu.memory_space<hbm>>) dst(%arg9 : memref<64x128xf32, #tpu.memory_space<vmem>>)
      tpu.yield
    }) : () -> ()
    %dma_start3A = arith.constant 0 : i32
    %dma_start3A_3 = arith.constant 0 : i32
    %dma_start3A_4 = tpu.memref_slice %arg5[%dma_start3A, %dma_start3A_3] : memref<2064x1024xf32, #tpu.memory_space<hbm>> -> memref<2064x1024xf32, #tpu.memory_space<hbm>>
    tpu.enqueue_indirect_dma source(%arg8 : memref<64x1024xf32, #tpu.memory_space<vmem>>) target(%dma_start3A_4 : memref<2064x1024xf32, #tpu.memory_space<hbm>>) offsets(%arg7 : memref<64xi32, #tpu.memory_space<vmem>>) semaphore(%arg10 : memref<!tpu.dma_semaphore, #tpu.memory_space<semaphore_mem>>)
    %dma_start3A_5 = arith.constant 0 : i32
    %dma_start3A_6 = arith.constant 0 : i32
    %dma_start3A_7 = tpu.memref_slice %arg6[%dma_start3A_5, %dma_start3A_6] : memref<2064x128xf32, #tpu.memory_space<hbm>> -> memref<2064x128xf32, #tpu.memory_space<hbm>>
    tpu.enqueue_indirect_dma source(%arg9 : memref<64x128xf32, #tpu.memory_space<vmem>>) target(%dma_start3A_7 : memref<2064x128xf32, #tpu.memory_space<hbm>>) offsets(%arg7 : memref<64xi32, #tpu.memory_space<vmem>>) semaphore(%arg11 : memref<!tpu.dma_semaphore, #tpu.memory_space<semaphore_mem>>)
    %dma_wait3A = arith.constant 0 : i32
    %dma_wait3A_8 = arith.constant 0 : i32
    %dma_wait3A_9 = tpu.memref_slice %arg5[%dma_wait3A, %dma_wait3A_8] : memref<2064x1024xf32, #tpu.memory_space<hbm>> -> memref<2064x1024xf32, #tpu.memory_space<hbm>>
    tpu.wait_indirect_dma semaphore(%arg10 : memref<!tpu.dma_semaphore, #tpu.memory_space<semaphore_mem>>) src(%arg8 : memref<64x1024xf32, #tpu.memory_space<vmem>>) dst(%dma_wait3A_9 : memref<2064x1024xf32, #tpu.memory_space<hbm>>)
    %dma_wait3A_10 = arith.constant 0 : i32
    %dma_wait3A_11 = arith.constant 0 : i32
    %dma_wait3A_12 = tpu.memref_slice %arg6[%dma_wait3A_10, %dma_wait3A_11] : memref<2064x128xf32, #tpu.memory_space<hbm>> -> memref<2064x128xf32, #tpu.memory_space<hbm>>
    tpu.wait_indirect_dma semaphore(%arg11 : memref<!tpu.dma_semaphore, #tpu.memory_space<semaphore_mem>>) src(%arg9 : memref<64x128xf32, #tpu.memory_space<vmem>>) dst(%dma_wait3A_12 : memref<2064x128xf32, #tpu.memory_space<hbm>>)
    return
  }
}

module attributes {stable_mosaic.version = 14 : i64} {
  func.func @_gating_body(%arg0: i32, %arg1: memref<512x1024xf32, #tpu.memory_space<vmem>>, %arg2: memref<1024x3xf32, #tpu.memory_space<vmem>>, %arg3: memref<512x128xf32, #tpu.memory_space<vmem>>, %arg4: memref<512x1xi32, #tpu.memory_space<vmem>>, %arg5: memref<1x8xi32, #tpu.memory_space<vmem>>, %arg6: memref<1x1xf32, #tpu.memory_space<vmem>>, %arg7: memref<1x8xf32, #tpu.memory_space<vmem>>, %arg8: memref<1x8xf32, #tpu.memory_space<vmem>>) attributes {dimension_semantics = [#tpu.dimension_semantics<arbitrary>], iteration_bounds = array<i64: 4>, scalar_prefetch = 0 : i64, scratch_operands = 2 : i64, tpu.core_type = #tpu.core_type<tc>, window_params = [{transform_indices = @transform_0, window_bounds = array<i64: 512, 1024>}, {pipeline_mode = #tpu.pipeline_mode<synchronous>, transform_indices = @transform_1, window_bounds = array<i64: 1024, 3>}, {transform_indices = @transform_2, window_bounds = array<i64: 512, 128>}, {transform_indices = @transform_3, window_bounds = array<i64: 512, 1>}, {pipeline_mode = #tpu.pipeline_mode<synchronous>, transform_indices = @transform_4, window_bounds = array<i64: 1, 8>}, {pipeline_mode = #tpu.pipeline_mode<synchronous>, transform_indices = @transform_5, window_bounds = array<i64: 1, 1>}]} {
    %eq3A = arith.constant 0 : i32
    %eq3A_0 = arith.cmpi eq, %arg0, %eq3A : i32
    %convert_element_type3A = arith.extui %eq3A_0 : i1 to i32
    %cond3A = arith.constant 0 : i32
    %cond3A_1 = arith.cmpi ne, %convert_element_type3A, %cond3A : i32
    scf.if %cond3A_1 {
      %broadcast_in_dim3A_155 = arith.constant 0.000000e+00 : f32
      %broadcast_in_dim3A_156 = vector.broadcast %broadcast_in_dim3A_155 : f32 to vector<1x8xf32>
      %swap3A_157 = arith.constant 0 : index
      %swap3A_158 = arith.constant 0 : index
      %swap3A_159 = vector.load %arg7[%swap3A_157, %swap3A_158] : memref<1x8xf32, #tpu.memory_space<vmem>>, vector<1x8xf32>
      tpu.vector_store %arg7[%swap3A_157, %swap3A_158], %broadcast_in_dim3A_156 {strides = array<i32>} : memref<1x8xf32, #tpu.memory_space<vmem>>, vector<1x8xf32>,
      %broadcast_in_dim3A_160 = arith.constant 0.000000e+00 : f32
      %broadcast_in_dim3A_161 = vector.broadcast %broadcast_in_dim3A_160 : f32 to vector<1x8xf32>
      %swap3A_162 = arith.constant 0 : index
      %swap3A_163 = arith.constant 0 : index
      %swap3A_164 = vector.load %arg8[%swap3A_162, %swap3A_163] : memref<1x8xf32, #tpu.memory_space<vmem>>, vector<1x8xf32>
      tpu.vector_store %arg8[%swap3A_162, %swap3A_163], %broadcast_in_dim3A_161 {strides = array<i32>} : memref<1x8xf32, #tpu.memory_space<vmem>>, vector<1x8xf32>,
    } else {
    }
    %get3A = arith.constant 0 : index
    %get3A_2 = arith.constant 0 : index
    %get3A_3 = vector.load %arg1[%get3A, %get3A_2] : memref<512x1024xf32, #tpu.memory_space<vmem>>, vector<512x1024xf32>
    %get3A_4 = arith.constant 0 : index
    %get3A_5 = arith.constant 0 : index
    %get3A_6 = vector.load %arg2[%get3A_4, %get3A_5] : memref<1024x3xf32, #tpu.memory_space<vmem>>, vector<1024x3xf32>
    %dot_general3A = arith.constant dense<0.000000e+00> : vector<512x3xf32>
    %dot_general3A_7 = tpu.matmul %get3A_3, %get3A_6, %dot_general3A {dimension_numbers = #tpu.dot_dimension_numbers<[1], [0], [0], [1], [0, 0, 1, 1], [], []>, transpose_lhs_hint = false} : vector<512x1024xf32>, vector<1024x3xf32>, vector<512x3xf32> -> vector<512x3xf32>
    %iota3A = tpu.iota {dimensions = array<i32: 1>} : vector<512x8xi32>
    %lt3A = arith.constant 3 : i32
    %lt3A_8 = vector.broadcast %lt3A : i32 to vector<512x8xi32>
    %lt3A_9 = arith.cmpi slt, %iota3A, %lt3A_8 : vector<512x8xi32>
    %broadcast_in_dim3A = arith.constant -1.000000e+30 : f32
    %broadcast_in_dim3A_10 = vector.broadcast %broadcast_in_dim3A : f32 to vector<512x5xf32>
    %concatenate3A = tpu.concatenate %dot_general3A_7, %broadcast_in_dim3A_10 in 1 : vector<512x3xf32>, vector<512x5xf32> -> vector<512x8xf32>
    %jit3A = arith.constant -1.000000e+30 : f32
    %broadcast_in_dim3A_11 = vector.broadcast %jit3A : f32 to vector<512x8xf32>
    %select_n3A = arith.select %lt3A_9, %concatenate3A, %broadcast_in_dim3A_11 : vector<512x8xi1>, vector<512x8xf32>
    %reduce_max3A = arith.constant dense<0xFF800000> : vector<512xf32>
    %reduce_max3A_12 = vector.multi_reduction <maximumf>, %select_n3A, %reduce_max3A [1] : vector<512x8xf32> to vector<512xf32>
    %broadcast_in_dim3A_13 = vector.shape_cast %reduce_max3A_12 : vector<512xf32> to vector<512x1xf32>
    %sub3A = vector.broadcast %broadcast_in_dim3A_13 : vector<512x1xf32> to vector<512x8xf32>
    %sub3A_14 = arith.subf %select_n3A, %sub3A : vector<512x8xf32>
    %exp3A = math.exp %sub3A_14 : vector<512x8xf32>
    %jit3A_15 = arith.constant 0.000000e+00 : f32
    %broadcast_in_dim3A_16 = vector.broadcast %jit3A_15 : f32 to vector<512x8xf32>
    %select_n3A_17 = arith.select %lt3A_9, %exp3A, %broadcast_in_dim3A_16 : vector<512x8xi1>, vector<512x8xf32>
    %reduce_sum3A = arith.constant dense<0.000000e+00> : vector<512xf32>
    %reduce_sum3A_18 = vector.multi_reduction <add>, %select_n3A_17, %reduce_sum3A [1] : vector<512x8xf32> to vector<512xf32>
    %broadcast_in_dim3A_19 = vector.shape_cast %reduce_sum3A_18 : vector<512xf32> to vector<512x1xf32>
    %div3A = arith.constant 1.000000e+00 : f32
    %div3A_20 = vector.broadcast %div3A : f32 to vector<512x1xf32>
    %div3A_21 = arith.divf %div3A_20, %broadcast_in_dim3A_19 : vector<512x1xf32>
    %mul3A = vector.broadcast %div3A_21 : vector<512x1xf32> to vector<512x8xf32>
    %mul3A_22 = arith.mulf %select_n3A_17, %mul3A : vector<512x8xf32>
    %reduce_max3A_23 = arith.constant dense<0xFF800000> : vector<512xf32>
    %reduce_max3A_24 = vector.multi_reduction <maximumf>, %mul3A_22, %reduce_max3A_23 [1] : vector<512x8xf32> to vector<512xf32>
    %broadcast_in_dim3A_25 = vector.shape_cast %reduce_max3A_24 : vector<512xf32> to vector<512x1xf32>
    %eq3A_26 = vector.broadcast %broadcast_in_dim3A_25 : vector<512x1xf32> to vector<512x8xf32>
    %eq3A_27 = arith.cmpf oeq, %mul3A_22, %eq3A_26 : vector<512x8xf32>
    %and3A = arith.andi %eq3A_27, %lt3A_9 : vector<512x8xi1>
    %jit3A_28 = arith.constant 999 : i32
    %broadcast_in_dim3A_29 = vector.broadcast %jit3A_28 : i32 to vector<512x8xi32>
    %select_n3A_30 = arith.select %and3A, %iota3A, %broadcast_in_dim3A_29 : vector<512x8xi1>, vector<512x8xi32>
    %reduce_min3A = arith.constant dense<2147483647> : vector<512xi32>
    %reduce_min3A_31 = vector.multi_reduction <minsi>, %select_n3A_30, %reduce_min3A [1] : vector<512x8xi32> to vector<512xi32>
    %broadcast_in_dim3A_32 = vector.shape_cast %reduce_min3A_31 : vector<512xi32> to vector<512x1xi32>
    %eq3A_33 = vector.broadcast %broadcast_in_dim3A_32 : vector<512x1xi32> to vector<512x8xi32>
    %eq3A_34 = arith.cmpi eq, %iota3A, %eq3A_33 : vector<512x8xi32>
    %jit3A_35 = arith.constant 1.000000e+00 : f32
    %jit3A_36 = arith.constant 0.000000e+00 : f32
    %broadcast_in_dim3A_37 = vector.broadcast %jit3A_35 : f32 to vector<512x8xf32>
    %broadcast_in_dim3A_38 = vector.broadcast %jit3A_36 : f32 to vector<512x8xf32>
    %select_n3A_39 = arith.select %eq3A_34, %broadcast_in_dim3A_37, %broadcast_in_dim3A_38 : vector<512x8xi1>, vector<512x8xf32>
    %broadcast_in_dim3A_40 = arith.constant 0.000000e+00 : f32
    %broadcast_in_dim3A_41 = vector.broadcast %broadcast_in_dim3A_40 : f32 to vector<1x8xf32>
    %slice3A = vector.extract_strided_slice %select_n3A_39 {offsets = [0, 0], sizes = [511, 8], strides = [1, 1]} : vector<512x8xf32> to vector<511x8xf32>
    %concatenate3A_42 = tpu.concatenate %broadcast_in_dim3A_41, %slice3A in 0 : vector<1x8xf32>, vector<511x8xf32> -> vector<512x8xf32>
    %add3A = arith.addf %select_n3A_39, %concatenate3A_42 : vector<512x8xf32>
    %broadcast_in_dim3A_43 = arith.constant 0.000000e+00 : f32
    %broadcast_in_dim3A_44 = vector.broadcast %broadcast_in_dim3A_43 : f32 to vector<2x8xf32>
    %slice3A_45 = vector.extract_strided_slice %add3A {offsets = [0, 0], sizes = [510, 8], strides = [1, 1]} : vector<512x8xf32> to vector<510x8xf32>
    %concatenate3A_46 = tpu.concatenate %broadcast_in_dim3A_44, %slice3A_45 in 0 : vector<2x8xf32>, vector<510x8xf32> -> vector<512x8xf32>
    %add3A_47 = arith.addf %add3A, %concatenate3A_46 : vector<512x8xf32>
    %broadcast_in_dim3A_48 = arith.constant 0.000000e+00 : f32
    %broadcast_in_dim3A_49 = vector.broadcast %broadcast_in_dim3A_48 : f32 to vector<4x8xf32>
    %slice3A_50 = vector.extract_strided_slice %add3A_47 {offsets = [0, 0], sizes = [508, 8], strides = [1, 1]} : vector<512x8xf32> to vector<508x8xf32>
    %concatenate3A_51 = tpu.concatenate %broadcast_in_dim3A_49, %slice3A_50 in 0 : vector<4x8xf32>, vector<508x8xf32> -> vector<512x8xf32>
    %add3A_52 = arith.addf %add3A_47, %concatenate3A_51 : vector<512x8xf32>
    %broadcast_in_dim3A_53 = arith.constant 0.000000e+00 : f32
    %broadcast_in_dim3A_54 = vector.broadcast %broadcast_in_dim3A_53 : f32 to vector<8x8xf32>
    %slice3A_55 = vector.extract_strided_slice %add3A_52 {offsets = [0, 0], sizes = [504, 8], strides = [1, 1]} : vector<512x8xf32> to vector<504x8xf32>
    %concatenate3A_56 = tpu.concatenate %broadcast_in_dim3A_54, %slice3A_55 in 0 : vector<8x8xf32>, vector<504x8xf32> -> vector<512x8xf32>
    %add3A_57 = arith.addf %add3A_52, %concatenate3A_56 : vector<512x8xf32>
    %broadcast_in_dim3A_58 = arith.constant 0.000000e+00 : f32
    %broadcast_in_dim3A_59 = vector.broadcast %broadcast_in_dim3A_58 : f32 to vector<16x8xf32>
    %slice3A_60 = vector.extract_strided_slice %add3A_57 {offsets = [0, 0], sizes = [496, 8], strides = [1, 1]} : vector<512x8xf32> to vector<496x8xf32>
    %concatenate3A_61 = tpu.concatenate %broadcast_in_dim3A_59, %slice3A_60 in 0 : vector<16x8xf32>, vector<496x8xf32> -> vector<512x8xf32>
    %add3A_62 = arith.addf %add3A_57, %concatenate3A_61 : vector<512x8xf32>
    %broadcast_in_dim3A_63 = arith.constant 0.000000e+00 : f32
    %broadcast_in_dim3A_64 = vector.broadcast %broadcast_in_dim3A_63 : f32 to vector<32x8xf32>
    %slice3A_65 = vector.extract_strided_slice %add3A_62 {offsets = [0, 0], sizes = [480, 8], strides = [1, 1]} : vector<512x8xf32> to vector<480x8xf32>
    %concatenate3A_66 = tpu.concatenate %broadcast_in_dim3A_64, %slice3A_65 in 0 : vector<32x8xf32>, vector<480x8xf32> -> vector<512x8xf32>
    %add3A_67 = arith.addf %add3A_62, %concatenate3A_66 : vector<512x8xf32>
    %broadcast_in_dim3A_68 = arith.constant 0.000000e+00 : f32
    %broadcast_in_dim3A_69 = vector.broadcast %broadcast_in_dim3A_68 : f32 to vector<64x8xf32>
    %slice3A_70 = vector.extract_strided_slice %add3A_67 {offsets = [0, 0], sizes = [448, 8], strides = [1, 1]} : vector<512x8xf32> to vector<448x8xf32>
    %concatenate3A_71 = tpu.concatenate %broadcast_in_dim3A_69, %slice3A_70 in 0 : vector<64x8xf32>, vector<448x8xf32> -> vector<512x8xf32>
    %add3A_72 = arith.addf %add3A_67, %concatenate3A_71 : vector<512x8xf32>
    %broadcast_in_dim3A_73 = arith.constant 0.000000e+00 : f32
    %broadcast_in_dim3A_74 = vector.broadcast %broadcast_in_dim3A_73 : f32 to vector<128x8xf32>
    %slice3A_75 = vector.extract_strided_slice %add3A_72 {offsets = [0, 0], sizes = [384, 8], strides = [1, 1]} : vector<512x8xf32> to vector<384x8xf32>
    %concatenate3A_76 = tpu.concatenate %broadcast_in_dim3A_74, %slice3A_75 in 0 : vector<128x8xf32>, vector<384x8xf32> -> vector<512x8xf32>
    %add3A_77 = arith.addf %add3A_72, %concatenate3A_76 : vector<512x8xf32>
    %broadcast_in_dim3A_78 = arith.constant 0.000000e+00 : f32
    %broadcast_in_dim3A_79 = vector.broadcast %broadcast_in_dim3A_78 : f32 to vector<256x8xf32>
    %slice3A_80 = vector.extract_strided_slice %add3A_77 {offsets = [0, 0], sizes = [256, 8], strides = [1, 1]} : vector<512x8xf32> to vector<256x8xf32>
    %concatenate3A_81 = tpu.concatenate %broadcast_in_dim3A_79, %slice3A_80 in 0 : vector<256x8xf32>, vector<256x8xf32> -> vector<512x8xf32>
    %add3A_82 = arith.addf %add3A_77, %concatenate3A_81 : vector<512x8xf32>
    %sub3A_83 = arith.subf %add3A_82, %select_n3A_39 : vector<512x8xf32>
    %get3A_84 = arith.constant 0 : index
    %get3A_85 = arith.constant 0 : index
    %get3A_86 = vector.load %arg7[%get3A_84, %get3A_85] : memref<1x8xf32, #tpu.memory_space<vmem>>, vector<1x8xf32>
    %add3A_87 = vector.broadcast %get3A_86 : vector<1x8xf32> to vector<512x8xf32>
    %add3A_88 = arith.addf %sub3A_83, %add3A_87 : vector<512x8xf32>
    %lt3A_89 = arith.constant 6.830000e+02 : f32
    %lt3A_90 = vector.broadcast %lt3A_89 : f32 to vector<512x8xf32>
    %lt3A_91 = arith.cmpf olt, %add3A_88, %lt3A_90 : vector<512x8xf32>
    %jit3A_92 = arith.constant 1.000000e+00 : f32
    %jit3A_93 = arith.constant 0.000000e+00 : f32
    %broadcast_in_dim3A_94 = vector.broadcast %jit3A_92 : f32 to vector<512x8xf32>
    %broadcast_in_dim3A_95 = vector.broadcast %jit3A_93 : f32 to vector<512x8xf32>
    %select_n3A_96 = arith.select %lt3A_91, %broadcast_in_dim3A_94, %broadcast_in_dim3A_95 : vector<512x8xi1>, vector<512x8xf32>
    %mul3A_97 = arith.mulf %select_n3A_39, %select_n3A_96 : vector<512x8xf32>
    %mul3A_98 = arith.mulf %mul3A_22, %mul3A_97 : vector<512x8xf32>
    %reduce_sum3A_99 = arith.constant dense<0.000000e+00> : vector<512xf32>
    %reduce_sum3A_100 = vector.multi_reduction <add>, %mul3A_98, %reduce_sum3A_99 [1] : vector<512x8xf32> to vector<512xf32>
    %broadcast_in_dim3A_101 = vector.shape_cast %reduce_sum3A_100 : vector<512xf32> to vector<512x1xf32>
    %mul3A_102 = arith.mulf %add3A_88, %mul3A_97 : vector<512x8xf32>
    %reduce_sum3A_103 = arith.constant dense<0.000000e+00> : vector<512xf32>
    %reduce_sum3A_104 = vector.multi_reduction <add>, %mul3A_102, %reduce_sum3A_103 [1] : vector<512x8xf32> to vector<512xf32>
    %broadcast_in_dim3A_105 = vector.shape_cast %reduce_sum3A_104 : vector<512xf32> to vector<512x1xf32>
    %reduce_sum3A_106 = arith.constant dense<0.000000e+00> : vector<512xf32>
    %reduce_sum3A_107 = vector.multi_reduction <add>, %mul3A_97, %reduce_sum3A_106 [1] : vector<512x8xf32> to vector<512xf32>
    %broadcast_in_dim3A_108 = vector.shape_cast %reduce_sum3A_107 : vector<512xf32> to vector<512x1xf32>
    %convert_element_type3A_109 = arith.sitofp %broadcast_in_dim3A_32 : vector<512x1xi32> to vector<512x1xf32>
    %mul3A_110 = arith.constant 6.880000e+02 : f32
    %mul3A_111 = vector.broadcast %mul3A_110 : f32 to vector<512x1xf32>
    %mul3A_112 = arith.mulf %convert_element_type3A_109, %mul3A_111 : vector<512x1xf32>
    %add3A_113 = arith.addf %mul3A_112, %broadcast_in_dim3A_105 : vector<512x1xf32>
    %broadcast_in_dim3A_114 = vector.shape_cast %broadcast_in_dim3A_101 : vector<512x1xf32> to vector<512x1xf32>
    %broadcast_in_dim3A_115 = vector.broadcast %broadcast_in_dim3A_114 : vector<512x1xf32> to vector<512x128xf32>
    %swap3A = arith.constant 0 : index
    %swap3A_116 = arith.constant 0 : index
    %swap3A_117 = vector.load %arg3[%swap3A, %swap3A_116] : memref<512x128xf32, #tpu.memory_space<vmem>>, vector<512x128xf32>
    tpu.vector_store %arg3[%swap3A, %swap3A_116], %broadcast_in_dim3A_115 {strides = array<i32>} : memref<512x128xf32, #tpu.memory_space<vmem>>, vector<512x128xf32>,
    %mul3A_118 = arith.mulf %broadcast_in_dim3A_108, %add3A_113 : vector<512x1xf32>
    %sub3A_119 = arith.constant 1.000000e+00 : f32
    %sub3A_120 = vector.broadcast %sub3A_119 : f32 to vector<512x1xf32>
    %sub3A_121 = arith.subf %sub3A_120, %broadcast_in_dim3A_108 : vector<512x1xf32>
    %mul3A_122 = arith.constant 6.830000e+02 : f32
    %mul3A_123 = vector.broadcast %mul3A_122 : f32 to vector<512x1xf32>
    %mul3A_124 = arith.mulf %sub3A_121, %mul3A_123 : vector<512x1xf32>
    %add3A_125 = arith.addf %mul3A_118, %mul3A_124 : vector<512x1xf32>
    %convert_element_type3A_126 = arith.fptosi %add3A_125 : vector<512x1xf32> to vector<512x1xi32>
    %swap3A_127 = arith.constant 0 : index
    %swap3A_128 = arith.constant 0 : index
    %swap3A_129 = vector.load %arg4[%swap3A_127, %swap3A_128] : memref<512x1xi32, #tpu.memory_space<vmem>>, vector<512x1xi32>
    tpu.vector_store %arg4[%swap3A_127, %swap3A_128], %convert_element_type3A_126 {strides = array<i32>} : memref<512x1xi32, #tpu.memory_space<vmem>>, vector<512x1xi32>,
    %get3A_130 = arith.constant 0 : index
    %get3A_131 = arith.constant 0 : index
    %get3A_132 = vector.load %arg7[%get3A_130, %get3A_131] : memref<1x8xf32, #tpu.memory_space<vmem>>, vector<1x8xf32>
    %reduce_sum3A_133 = arith.constant dense<0.000000e+00> : vector<8xf32>
    %reduce_sum3A_134 = vector.multi_reduction <add>, %select_n3A_39, %reduce_sum3A_133 [0] : vector<512x8xf32> to vector<8xf32>
    %broadcast_in_dim3A_135 = vector.shape_cast %reduce_sum3A_134 : vector<8xf32> to vector<1x8xf32>
    %add3A_136 = arith.addf %get3A_132, %broadcast_in_dim3A_135 : vector<1x8xf32>
    %swap3A_137 = arith.constant 0 : index
    %swap3A_138 = arith.constant 0 : index
    %swap3A_139 = vector.load %arg7[%swap3A_137, %swap3A_138] : memref<1x8xf32, #tpu.memory_space<vmem>>, vector<1x8xf32>
    tpu.vector_store %arg7[%swap3A_137, %swap3A_138], %add3A_136 {strides = array<i32>} : memref<1x8xf32, #tpu.memory_space<vmem>>, vector<1x8xf32>,
    %get3A_140 = arith.constant 0 : index
    %get3A_141 = arith.constant 0 : index
    %get3A_142 = vector.load %arg8[%get3A_140, %get3A_141] : memref<1x8xf32, #tpu.memory_space<vmem>>, vector<1x8xf32>
    %reduce_sum3A_143 = arith.constant dense<0.000000e+00> : vector<8xf32>
    %reduce_sum3A_144 = vector.multi_reduction <add>, %mul3A_22, %reduce_sum3A_143 [0] : vector<512x8xf32> to vector<8xf32>
    %broadcast_in_dim3A_145 = vector.shape_cast %reduce_sum3A_144 : vector<8xf32> to vector<1x8xf32>
    %add3A_146 = arith.addf %get3A_142, %broadcast_in_dim3A_145 : vector<1x8xf32>
    %swap3A_147 = arith.constant 0 : index
    %swap3A_148 = arith.constant 0 : index
    %swap3A_149 = vector.load %arg8[%swap3A_147, %swap3A_148] : memref<1x8xf32, #tpu.memory_space<vmem>>, vector<1x8xf32>
    tpu.vector_store %arg8[%swap3A_147, %swap3A_148], %add3A_146 {strides = array<i32>} : memref<1x8xf32, #tpu.memory_space<vmem>>, vector<1x8xf32>,
    %eq3A_150 = arith.constant 3 : i32
    %eq3A_151 = arith.cmpi eq, %arg0, %eq3A_150 : i32
    %convert_element_type3A_152 = arith.extui %eq3A_151 : i1 to i32
    %cond3A_153 = arith.constant 0 : i32
    %cond3A_154 = arith.cmpi ne, %convert_element_type3A_152, %cond3A_153 : i32
    scf.if %cond3A_154 {
      %min3A = arith.constant 6.830000e+02 : f32
      %min3A_155 = vector.broadcast %min3A : f32 to vector<1x8xf32>
      %min3A_156 = arith.minimumf %add3A_136, %min3A_155 : vector<1x8xf32>
      %convert_element_type3A_157 = arith.fptosi %min3A_156 : vector<1x8xf32> to vector<1x8xi32>
      %swap3A_158 = arith.constant 0 : index
      %swap3A_159 = arith.constant 0 : index
      %swap3A_160 = vector.load %arg5[%swap3A_158, %swap3A_159] : memref<1x8xi32, #tpu.memory_space<vmem>>, vector<1x8xi32>
      tpu.vector_store %arg5[%swap3A_158, %swap3A_159], %convert_element_type3A_157 {strides = array<i32>} : memref<1x8xi32, #tpu.memory_space<vmem>>, vector<1x8xi32>,
      %div3A_161 = arith.constant 2.048000e+03 : f32
      %div3A_162 = vector.broadcast %div3A_161 : f32 to vector<1x8xf32>
      %div3A_163 = arith.divf %add3A_146, %div3A_162 : vector<1x8xf32>
      %div3A_164 = arith.constant 2.048000e+03 : f32
      %div3A_165 = vector.broadcast %div3A_164 : f32 to vector<1x8xf32>
      %div3A_166 = arith.divf %add3A_136, %div3A_165 : vector<1x8xf32>
      %mul3A_167 = arith.mulf %div3A_163, %div3A_166 : vector<1x8xf32>
      %reduce_sum3A_168 = arith.constant dense<0.000000e+00> : vector<1xf32>
      %reduce_sum3A_169 = vector.multi_reduction <add>, %mul3A_167, %reduce_sum3A_168 [1] : vector<1x8xf32> to vector<1xf32>
      %broadcast_in_dim3A_170 = vector.shape_cast %reduce_sum3A_169 : vector<1xf32> to vector<1x1xf32>
      %mul3A_171 = arith.constant 3.000000e+00 : f32
      %mul3A_172 = vector.broadcast %mul3A_171 : f32 to vector<1x1xf32>
      %mul3A_173 = arith.mulf %broadcast_in_dim3A_170, %mul3A_172 : vector<1x1xf32>
      %swap3A_174 = arith.constant 0 : index
      %swap3A_175 = arith.constant 0 : index
      %swap3A_176 = vector.load %arg6[%swap3A_174, %swap3A_175] : memref<1x1xf32, #tpu.memory_space<vmem>>, vector<1x1xf32>
      tpu.vector_store %arg6[%swap3A_174, %swap3A_175], %mul3A_173 {strides = array<i32>} : memref<1x1xf32, #tpu.memory_space<vmem>>, vector<1x1xf32>,
    } else {
    }
    return
  }
  func.func @transform_0(%arg0: i32) -> (i32, i32) {
    %c0_i32 = arith.constant 0 : i32
    %c0_i32_0 = arith.constant 0 : i32
    return %arg0, %c0_i32 : i32, i32
  }
  func.func @transform_1(%arg0: i32) -> (i32, i32) {
    %c0_i32 = arith.constant 0 : i32
    %c0_i32_0 = arith.constant 0 : i32
    %c0_i32_1 = arith.constant 0 : i32
    return %c0_i32, %c0_i32_0 : i32, i32
  }
  func.func @transform_2(%arg0: i32) -> (i32, i32) {
    %c0_i32 = arith.constant 0 : i32
    %c0_i32_0 = arith.constant 0 : i32
    return %arg0, %c0_i32 : i32, i32
  }
  func.func @transform_3(%arg0: i32) -> (i32, i32) {
    %c0_i32 = arith.constant 0 : i32
    %c0_i32_0 = arith.constant 0 : i32
    return %arg0, %c0_i32 : i32, i32
  }
  func.func @transform_4(%arg0: i32) -> (i32, i32) {
    %c0_i32 = arith.constant 0 : i32
    %c0_i32_0 = arith.constant 0 : i32
    %c0_i32_1 = arith.constant 0 : i32
    return %c0_i32, %c0_i32_0 : i32, i32
  }
  func.func @transform_5(%arg0: i32) -> (i32, i32) {
    %c0_i32 = arith.constant 0 : i32
    %c0_i32_0 = arith.constant 0 : i32
    %c0_i32_1 = arith.constant 0 : i32
    return %c0_i32, %c0_i32_0 : i32, i32
  }
}

module attributes {stable_mosaic.version = 14 : i64} {
  func.func @_expert_body(%arg0: i32, %arg1: memref<1x8xi32, #tpu.memory_space<smem>>, %arg2: memref<688x1024xf32, #tpu.memory_space<vmem>>, %arg3: memref<1x1024x1024xf32, #tpu.memory_space<vmem>>, %arg4: memref<1x1x1024xf32, #tpu.memory_space<vmem>>, %arg5: memref<688x128xf32, #tpu.memory_space<vmem>>, %arg6: memref<688x1024xf32, #tpu.memory_space<vmem>>) attributes {dimension_semantics = [#tpu.dimension_semantics<arbitrary>], iteration_bounds = array<i64: 3>, scalar_prefetch = 0 : i64, scratch_operands = 0 : i64, tpu.core_type = #tpu.core_type<tc>, window_params = [{transform_indices = @transform_0, window_bounds = array<i64: 1, 8>}, {transform_indices = @transform_1, window_bounds = array<i64: 688, 1024>}, {transform_indices = @transform_2, window_bounds = array<i64: 1, 1024, 1024>}, {transform_indices = @transform_3, window_bounds = array<i64: 1, 1, 1024>}, {transform_indices = @transform_4, window_bounds = array<i64: 688, 128>}, {transform_indices = @transform_5, window_bounds = array<i64: 688, 1024>}]} {
    %get3A = arith.constant 0 : index
    %get3A_0 = arith.index_cast %arg0 : i32 to index
    %get3A_1 = memref.load %arg1[%get3A, %get3A_0] : memref<1x8xi32, #tpu.memory_space<smem>>
    %iota3A = tpu.iota {dimensions = array<i32: 0>} : vector<688x1024xi32>
    %lt3A = vector.broadcast %get3A_1 : i32 to vector<688x1024xi32>
    %lt3A_2 = arith.cmpi slt, %iota3A, %lt3A : vector<688x1024xi32>
    %get3A_3 = arith.constant 0 : index
    %get3A_4 = arith.constant 0 : index
    %get3A_5 = vector.load %arg2[%get3A_3, %get3A_4] : memref<688x1024xf32, #tpu.memory_space<vmem>>, vector<688x1024xf32>
    %jit3A = arith.constant 0.000000e+00 : f32
    %broadcast_in_dim3A = vector.broadcast %jit3A : f32 to vector<688x1024xf32>
    %select_n3A = arith.select %lt3A_2, %get3A_5, %broadcast_in_dim3A : vector<688x1024xi1>, vector<688x1024xf32>
    %iota3A_6 = tpu.iota {dimensions = array<i32: 0>} : vector<688x1xi32>
    %lt3A_7 = vector.broadcast %get3A_1 : i32 to vector<688x1xi32>
    %lt3A_8 = arith.cmpi slt, %iota3A_6, %lt3A_7 : vector<688x1xi32>
    %get3A_9 = arith.constant 0 : index
    %get3A_10 = arith.constant 0 : index
    %get3A_11 = vector.load %arg5[%get3A_9, %get3A_10] : memref<688x128xf32, #tpu.memory_space<vmem>>, vector<688x1xf32>
    %jit3A_12 = arith.constant 0.000000e+00 : f32
    %broadcast_in_dim3A_13 = vector.broadcast %jit3A_12 : f32 to vector<688x1xf32>
    %select_n3A_14 = arith.select %lt3A_8, %get3A_11, %broadcast_in_dim3A_13 : vector<688x1xi1>, vector<688x1xf32>
    %get3A_15 = arith.constant 0 : index
    %get3A_16 = arith.constant 0 : index
    %get3A_17 = arith.constant 0 : index
    %get3A_18 = vector.load %arg3[%get3A_15, %get3A_16, %get3A_17] : memref<1x1024x1024xf32, #tpu.memory_space<vmem>>, vector<1x1024x1024xf32>
    %get3A_19 = vector.shape_cast %get3A_18 : vector<1x1024x1024xf32> to vector<1024x1024xf32>
    %dot_general3A = arith.constant dense<0.000000e+00> : vector<688x1024xf32>
    %dot_general3A_20 = tpu.matmul %select_n3A, %get3A_19, %dot_general3A {dimension_numbers = #tpu.dot_dimension_numbers<[1], [0], [0], [1], [0, 0, 1, 1], [], []>, transpose_lhs_hint = false} : vector<688x1024xf32>, vector<1024x1024xf32>, vector<688x1024xf32> -> vector<688x1024xf32>
    %get3A_21 = arith.constant 0 : index
    %get3A_22 = arith.constant 0 : index
    %get3A_23 = arith.constant 0 : index
    %get3A_24 = vector.load %arg4[%get3A_21, %get3A_22, %get3A_23] : memref<1x1x1024xf32, #tpu.memory_space<vmem>>, vector<1x1x1024xf32>
    %get3A_25 = vector.shape_cast %get3A_24 : vector<1x1x1024xf32> to vector<1x1024xf32>
    %add3A = vector.broadcast %get3A_25 : vector<1x1024xf32> to vector<688x1024xf32>
    %add3A_26 = arith.addf %dot_general3A_20, %add3A : vector<688x1024xf32>
    %mul3A = vector.broadcast %select_n3A_14 : vector<688x1xf32> to vector<688x1024xf32>
    %mul3A_27 = arith.mulf %add3A_26, %mul3A : vector<688x1024xf32>
    %swap3A = arith.constant 0 : index
    %swap3A_28 = arith.constant 0 : index
    %swap3A_29 = vector.load %arg6[%swap3A, %swap3A_28] : memref<688x1024xf32, #tpu.memory_space<vmem>>, vector<688x1024xf32>
    tpu.vector_store %arg6[%swap3A, %swap3A_28], %mul3A_27 {strides = array<i32>} : memref<688x1024xf32, #tpu.memory_space<vmem>>, vector<688x1024xf32>,
    return
  }
  func.func @transform_0(%arg0: i32) -> (i32, i32) {
    %c0_i32 = arith.constant 0 : i32
    %c0_i32_0 = arith.constant 0 : i32
    %c0_i32_1 = arith.constant 0 : i32
    return %c0_i32, %c0_i32_0 : i32, i32
  }
  func.func @transform_1(%arg0: i32) -> (i32, i32) {
    %c0_i32 = arith.constant 0 : i32
    %c0_i32_0 = arith.constant 0 : i32
    return %arg0, %c0_i32 : i32, i32
  }
  func.func @transform_2(%arg0: i32) -> (i32, i32, i32) {
    %c0_i32 = arith.constant 0 : i32
    %c0_i32_0 = arith.constant 0 : i32
    %c0_i32_1 = arith.constant 0 : i32
    return %arg0, %c0_i32, %c0_i32_0 : i32, i32, i32
  }
  func.func @transform_3(%arg0: i32) -> (i32, i32, i32) {
    %c0_i32 = arith.constant 0 : i32
    %c0_i32_0 = arith.constant 0 : i32
    %c0_i32_1 = arith.constant 0 : i32
    return %arg0, %c0_i32, %c0_i32_0 : i32, i32, i32
  }
  func.func @transform_4(%arg0: i32) -> (i32, i32) {
    %c0_i32 = arith.constant 0 : i32
    %c0_i32_0 = arith.constant 0 : i32
    return %arg0, %c0_i32 : i32, i32
  }
  func.func @transform_5(%arg0: i32) -> (i32, i32) {
    %c0_i32 = arith.constant 0 : i32
    %c0_i32_0 = arith.constant 0 : i32
    return %arg0, %c0_i32 : i32, i32
  }
}

</mosaic_0001>

<sc_bundles>
// kernel: kernel.6.cloned.1.call-start
scs
__scs_entry_jumppad:
0x0: {  	(pc) =	sbr.rel $0x88, $3  }
0x1: {  	(tag) =	ssettag $0x0;
	lr =	simm.s32 $0x1  }
0x2: {  	[smem:$0x3F9D] =	sst lr;
	_ =	strace $0xD0000000  }
0x3: {  	_ = 	snop  }
0x4: {  	_ = 	snop  }
0x5: {  	_ = 	snop  }
0x6: {  	_ = 	snop  }
0x7: {  	_ = 	snop  }
__scs_overlays_trampoline_lowered:
0x8: {  	[smem:$0x3FAC] =	sst s0  }
0x9: {  	[smem:$0x3FAD] =	sst s1  }
0xa: {  	[smem:$0x3FAE] =	sst s2  }
0xb: {  	[smem:$0x3FAF] =	sst s3  }
0xc: {  	[smem:$0x3FB0] =	sst s4  }
0xd: {  	[smem:$0x3FB1] =	sst s5  }
0xe: {  	[smem:$0x3FB2] =	sst s6  }
0xf: {  	[smem:$0x3FB3] =	sst s7  }
0x10: {  	[smem:$0x3FB4] =	sst s8  }
0x11: {  	[smem:$0x3FB5] =	sst s9;
	s0 =	simm.s32 @!p0 $0x0  }
0x12: {  	s1 =	sld [smem:$0x3F9B];
	s0 =	simm.s32 @p0 $0x1  }
0x13: {  	[smem:$0x3FB6] =	sst s0;
	s0 =	simm.s32 @!p1 $0x0  }
0x14: {  	s2 =	sld [smem:$0x3F9A];
	s0 =	simm.s32 @p1 $0x1  }
0x15: {  	[smem:$0x3FB7] =	sst s0;
	s0 =	simm.s32 @!p2 $0x0  }
0x16: {  	s3 =	sld [smem:$0x3FDB];
	s0 =	simm.s32 @p2 $0x1  }
0x17: {  	s4 =	simm.s32 $0x1BF5;
	[smem:$0x3FB9] =	sst s0  }
0x18: {  	s0 =	sld [smem:$0x3F9C];
	_ =	swait.ge [sflag:s4], $0x0  }
0x19: {  	s7 =	sld [smem:$0x3F9D]  }
0x1a: {  	s8 =	sadd.s32 $0xFFFFE003, lr  }
0x1b: {  	s9 =	sadd.s32 $0xFFFFFEF7, lr;
	s5 =	simm.s32 $0xFFFFFFFF;
	p2 =	slt.u32 s8, $0xFFFFF086  }
0x1c: {  	p1 =	slt.u32 s9, $0xF7A;
	s5 =	simm.s32 @!p2 $0x0  }
0x1d: {  	s5 =	simm.s32 @p1 $0x1;
	p0 =	seq.s32 s7, s2  }
0x1e: {  	s7 =	smul.u32 @!p0 $0xF7A, s2;
	p2 =	seq.s32 @!p0 s5, $0x0  }
0x1f: {  	s9 =	smul.u32 $0xF7A, s1;
	s8 =	simm.s32 @!p0 $0x1BF5;
	p2 =	por !p2, p0  }
0x20: {  	[sflag:s8] =	ssyncset.s32 @!p0 $0xFFFFF086;
	s6 =	sadd.s32 @!p0 s3, s7;
	s7 =	simm.s32 @!p0 $0x108  }
0x21: {  	s3 =	sadd.s32 s3, s9;
	s6 =	sadd.s32 @!p0 $0x88, s6;
	s7 =	simm.s32 @p2 $0x1082  }
0x22: {  	[simem:s7], [sflag:s8] =	dma.local @!p0 [hbm:s6], $0xF7A  }
0x23: {  	s9 =	sor.u32 $0xD0000000, s2;
	s6 =	simm.s32 $0x108;
	_ =	swait.ge @!p0 [sflag:s8], $0x0  }
0x24: {  	s3 =	sadd.s32 $0x88, s3;
	s6 =	simm.s32 @!p1 $0x1082;
	[sflag:s4] =	ssyncset.s32 $0xFFFFF086  }
0x25: {  	[simem:s6], [sflag:s4] =	dma.local [hbm:s3], $0xF7A  }
0x26: {  	[smem:$0x3F9D] =	sst s1;
	(tag) =	ssettag s2;
	_ =	strace s9  }
0x27: {  	s1 =	sld [smem:$0x3FAD]  }
0x28: {  	s2 =	sld [smem:$0x3FAE]  }
0x29: {  	s4 =	sld [smem:$0x3FB0]  }
0x2a: {  	p0 =	seq.s32 s5, $0x0;
	s5 =	sld [smem:$0x3FB1]  }
0x2b: {  	s6 =	sld [smem:$0x3FB2]  }
0x2c: {  	s7 =	sld [smem:$0x3FB3]  }
0x2d: {  	s3 =	simm.s32 $0x108;
	s8 =	sld [smem:$0x3FB4]  }
0x2e: {  	s3 =	simm.s32 @!p0 $0x1082;
	s9 =	sld [smem:$0x3FB5]  }
0x2f: {  	lr =	sadd.s32 s0, s3;
	s0 =	sld [smem:$0x3FAC]  }
0x30: {  	s3 =	sld [smem:$0x3FAF]  }
0x31: {  	[smem:$0x3FB8] =	sst s10  }
0x32: {  	s10 =	sld [smem:$0x3FB6];
	_ =	sdelay $0x3  }
0x33: {  	p0 =	seq.s32 s10, $0x1;
	s10 =	sld [smem:$0x3FB8];
	_ =	sdelay $0x3  }
0x34: {  	[smem:$0x3FB8] =	sst s10  }
0x35: {  	s10 =	sld [smem:$0x3FB7];
	_ =	sdelay $0x3  }
0x36: {  	p1 =	seq.s32 s10, $0x1;
	s10 =	sld [smem:$0x3FB8];
	_ =	sdelay $0x3  }
0x37: {  	[smem:$0x3FB8] =	sst s10  }
0x38: {  	s10 =	sld [smem:$0x3FB9]  }
0x39: {  	_ = 	snop;
	(pc) =	sbr.ind lr, $3  }
0x3a: {  	_ = 	snop  }
0x3b: {  	_ = 	snop  }
0x3c: {  	p2 =	seq.s32 s10, $0x1;
	s10 =	sld [smem:$0x3FB8]  }
0x3d: {  	_ =	shalt  }
0x3e: {  	_ =	shalt  }
0x3f: {  	_ =	shalt  }
0x40: {  	_ =	shalt  }
0x41: {  	_ =	shalt  }
0x42: {  	_ =	shalt  }
0x43: {  	_ =	shalt  }
0x44: {  	_ =	shalt  }
0x45: {  	_ =	shalt  }
0x46: {  	_ =	shalt  }
0x47: {  	_ =	shalt  }
0x48: {  	_ =	shalt  }
0x49: {  	_ =	shalt  }
0x4a: {  	_ =	shalt  }
0x4b: {  	_ =	shalt  }
0x4c: {  	_ =	shalt  }
0x4d: {  	_ =	shalt  }
0x4e: {  	_ =	shalt  }
0x4f: {  	_ =	shalt  }
0x50: {  	_ =	shalt  }
0x51: {  	_ =	shalt  }
0x52: {  	_ =	shalt  }
0x53: {  	_ =	shalt  }
0x54: {  	_ =	shalt  }
0x55: {  	_ =	shalt  }
0x56: {  	_ =	shalt  }
0x57: {  	_ =	shalt  }
0x58: {  	_ =	shalt  }
0x59: {  	_ =	shalt  }
0x5a: {  	_ =	shalt  }
0x5b: {  	_ =	shalt  }
0x5c: {  	_ =	shalt  }
0x5d: {  	_ =	shalt  }
0x5e: {  	_ =	shalt  }
0x5f: {  	_ =	shalt  }
0x60: {  	_ =	shalt  }
0x61: {  	_ =	shalt  }
0x62: {  	_ =	shalt  }
0x63: {  	_ =	shalt  }
0x64: {  	_ =	shalt  }
0x65: {  	_ =	shalt  }
0x66: {  	_ =	shalt  }
0x67: {  	_ =	shalt  }
0x68: {  	_ =	shalt  }
0x69: {  	_ =	shalt  }
0x6a: {  	_ =	shalt  }
0x6b: {  	_ =	shalt  }
0x6c: {  	_ =	shalt  }
0x6d: {  	_ =	shalt  }
0x6e: {  	_ =	shalt  }
0x6f: {  	_ =	shalt  }
0x70: {  	_ =	shalt  }
0x71: {  	_ =	shalt  }
0x72: {  	_ =	shalt  }
0x73: {  	_ =	shalt  }
0x74: {  	_ =	shalt  }
0x75: {  	_ =	shalt  }
0x76: {  	_ =	shalt  }
0x77: {  	_ =	shalt  }
0x78: {  	_ =	shalt  }
0x79: {  	_ =	shalt  }
0x7a: {  	_ =	shalt  }
0x7b: {  	_ =	shalt  }
0x7c: {  	_ =	shalt  }
0x7d: {  	_ =	shalt  }
0x7e: {  	_ =	shalt  }
0x7f: {  	_ =	shalt  }
0x80: {  	_ =	shalt  }
0x81: {  	_ =	shalt  }
0x82: {  	_ =	shalt  }
0x83: {  	_ =	shalt  }
0x84: {  	_ =	shalt  }
0x85: {  	_ =	shalt  }
0x86: {  	_ =	shalt  }
0x87: {  	_ =	shalt  }
.Lfunc_end0:
.L_simem_size_0:
called_computation_lowered:
.L_overlay_start_0:
0x88: {  	s2 =	sld [smem:$0x3FD9]  }
0x89: {  	s3 =	sld [smem:$0x3FFE];
	_ =	sdelay $0x1  }
0x8a: {  	s1 =	srdreg.scid  }
0x8b: {  	s0 =	sand.u32 $0x1, s1  }
0x8c: {  	s14 =	sshll.u32 s0, $0xA;
	s2 =	sadd.s32 s3, s2  }
0x8d: {  	s2 =	sadd.s32 s2, s14  }
0x8e: {  	[smem:$0x3FC4] =	sst s2  }
0x8f: {  	_ = 	snop  }
0x90: {  	s2 =	sld [smem:$0x3FD0];
	_ =	sdelay $0x2  }
0x91: {  	s4 =	simm.s32 $0xA;
	s5 =	simm.s32 $0x10;
	s15 =	sld [smem:$0x3FC9]  }
0x92: {  	[smem:s5], [sflag:s4] =	dma.local [hbm:s2], $0x1  }
0x93: {  	_ =	swait.eq [sflag:s4], $0x1  }
0x94: {  	[sflag:s4] =	ssyncset.done $0x0  }
0x95: {  	[sflag:s4] =	ssyncadd.s32 $0xFFFFFFFF  }
0x96: {  	s16 =	sld [smem:$0x10];
	(tm) =	ssettm $0x1  }
0x97: {  	s17 =	sld [smem:$0x3FFB];
	_ =	sdelay $0x3  }
0x98: {  	_ =	strace s17  }
0x99: {  	s4 =	sld [smem:$0x3FFC];
	_ =	sdelay $0x3  }
0x9a: {  	_ =	strace s4  }
0x9b: {  	s4 =	sld [smem:$0x3FFD];
	_ =	sdelay $0x3  }
0x9c: {  	_ =	strace s4  }
0x9d: {  	_ =	strace $0x8FFFFFFF  }
0x9e: {  	s18 =	sld [smem:$0x3FDB];
	_ =	sdelay $0x1  }
0x9f: {  	s19 =	simm.s32 $_scs_section_size  }
0xa0: {  	s6 =	simm.s32 $_size__tile_overlayer_lowered;
	s7 =	simm.s32 $_tile_overlayer_lowered  }
0xa1: {  	s22 =	simm.s32 $0x1BFF;
	s21 =	sshll.u32 s7, $0x1;
	s4 =	sadd.s32 s19, s18  }
0xa2: {  	s8 =	simm.s32 $0x0;
	s20 =	sshll.u32 s6, $0x1;
	s6 =	sadd.s32 s21, s4  }
0xa3: {  	[timem:s8], [sflag:s22] =	dma.local [hbm:s6], s20  }
0xa4: {  	_ =	swait.ge [sflag:s22], s20  }
0xa5: {  	s5 =	ssub.s32 $0x0, s20;
	[sflag:s22] =	ssyncset.done $0x0  }
0xa6: {  	[sflag:s22] =	ssyncadd.s32 s5;
	_ =	sdelay $0x1  }
0xa7: {  	s23 =	simm.s32 $0x1B8B  }
0xa8: {  	_ =	swait.ge [sflag:s23], $0x1  }
0xa9: {  	[sflag:s23] =	ssyncset.done $0x0  }
0xaa: {  	s25 =	simm.s32 $0x1B8E;
	s24 =	sld [smem:$0x3FFE];
	[sflag:s23] =	ssyncadd.s32 $0xFFFFFFFF  }
0xab: {  	s26 =	simm.s32 $execute0_lowered;
	[smem:$0x3FD2] =	sst s25  }
0xac: {  	s6 =	sshll.u32 s26, $0x1;
	_ =	strace $0x80000046;
	[dreg:$0x1] =	wrdreg $0xFFFFFFFF  }
0xad: {  	s28 =	simm.s32 $_size_execute0_lowered;
	s4 =	sadd.s32 s4, s6;
	[dreg:$0x0] =	wrdreg $0x0  }
0xae: {  	s6 =	sshll.u32 s28, $0x1;
	[dreg:$0x2] =	wrdreg s4  }
0xaf: {  	[dreg:$0x3] =	wrdreg s6  }
0xb0: {  	[dreg:$0x4] =	wrdreg $0xC0  }
0xb1: {  	_ =	task [dreg:s8], $0x5FFFF  }
0xb2: {  	[dreg:$0x1] =	wrdreg $0xFFFFFFFF  }
0xb3: {  	[dreg:$0x0] =	wrdreg $0x60  }
0xb4: {  	[dreg:$0x2] =	wrdreg s15  }
0xb5: {  	[dreg:$0x3] =	wrdreg s24  }
0xb6: {  	[dreg:$0x4] =	wrdreg s16  }
0xb7: {  	[dreg:$0x5] =	wrdreg $0x9  }
0xb8: {  	_ =	task.clear_ibuf [dreg:s8], $0x6FFFF;
	_ =	strace $0x90000046  }
0xb9: {  	s29 =	simm.s32 $0x9;
	_ =	strace $0x80000048  }
0xba: {  	_ =	swait.ge [sflag:s29], $0x1  }
0xbb: {  	[sflag:s29] =	ssyncadd.s32 $0xFFFFFFFF  }
0xbc: {  	_ =	strace $0x90000048  }
0xbd: {  	_ =	sfence  }
0xbe: {  	s30 =	sld [smem:$0x0];
	_ =	sdelay $0x2  }
0xbf: {  	s31 =	sshll.u32 s1, $0xD;
	s1 =	sshrl.u32 s1, $0x2  }
0xc0: {  	s3 =	sand.u32 $0x4000, s31;
	s1 =	sadd.s32 s1, s30  }
0xc1: {  	s0 =	sor.u32 s3, s0;
	s1 =	sshll.u32 s1, $0x11  }
0xc2: {  	s0 =	sor.u32 s1, s0  }
0xc3: {  	s0 =	sadd.s32 $0x8F2B, s0  }
0xc4: {  	[sflag:s0] =	ssyncadd.remote.s32 $0x1  }
0xc5: {  	_ =	sfence.sel $0xFFFF  }
0xc6: {  	[dreg:$0x0] =	wrdreg $0xFFFFFFFF;
	(pc) =	sbr.abs _section_cstart, $3  }
0xc7: {  	[dreg:$0x1] =	wrdreg $0xFFFFFFFF  }
0xc8: {  	_ =	task.clear_ibuf [dreg:s8], $0x2FFFF;
	_ =	strace $0x9FFFFFFF  }
0xc9: {  	(tm) =	ssettm $0x7FFFFFFF  }
tec
execute0_lowered:
.L_overlay_start_1:
0x0: {  	(tag) =	ssettag $0x1  }
0x1: {  	s1 =	rddreg [dreg:$0x0]  }
0x2: {  	s6 =	rddreg [dreg:$0x1]  }
0x3: {  	s2 =	srdreg.scid;
	s3 =	rddreg [dreg:$0x2]  }
0x4: {  	s4 =	sand.u32 $0x1, s2;
	[dreg:$0x4] =	wrdreg s3;
	s2 =	simm.s32 $0x0  }
0x5: {  	s12 =	simm.s32 $0x880;
	[smem:$0x7FF] =	sst s2  }
0x6: {  	s13 =	simm.s32 $0x1080;
	_ =	strace $0x80000047;
	[dreg:$0x8] =	wrdreg s12  }
0x7: {  	s0 =	stileid.u32;
	s14 =	simm.s32 $0x1880;
	[dreg:$0x9] =	wrdreg s13  }
0x8: {  	s15 =	simm.s32 $0x2080;
	s16 =	simm.s32 $0x2880;
	[dreg:$0xa] =	wrdreg s14  }
0x9: {  	s17 =	simm.s32 $0x3080;
	s19 =	simm.s32 $0x3880;
	[dreg:$0xb] =	wrdreg s15  }
0xa: {  	s21 =	simm.s32 $0x4080;
	s22 =	simm.s32 $0x4880;
	[dreg:$0xc] =	wrdreg s16  }
0xb: {  	s23 =	simm.s32 $0x5080;
	s24 =	simm.s32 $0x5880;
	[dreg:$0xd] =	wrdreg s17  }
0xc: {  	s25 =	simm.s32 $0x6080;
	s8 =	simm.s32 $0x3;
	[dreg:$0xe] =	wrdreg s19  }
0xd: {  	s26 =	simm.s32 $0x6880;
	s9 =	simm.s32 $0x80;
	[dreg:$0xf] =	wrdreg s21  }
0xe: {  	s28 =	simm.s32 $0xF080;
	s29 =	simm.s32 $0xF880;
	[dreg:$0x10] =	wrdreg s22  }
0xf: {  	s30 =	simm.s32 $0x40;
	s31 =	simm.s32 $0x1;
	[dreg:$0x11] =	wrdreg s23  }
0x10: {  	s10 =	sshll.u32 s0, $0x7;
	s5 =	sshll.u32 s4, $0x6;
	[dreg:$0x12] =	wrdreg s24  }
0x11: {  	s4 =	ssub.s32 $0x2, s4;
	s3 =	sor.u32 s5, s10;
	[dreg:$0x13] =	wrdreg s25  }
0x12: {  	s18 =	sshrl.u32 s4, $0x1;
	s10 =	simm.s32 $0x10080;
	[dreg:$0x14] =	wrdreg s26  }
0x13: {  	s12 =	simm.s32 $0x7880;
	s13 =	simm.s32 $0x8080;
	s14 =	simm.s32 $0x8880  }
0x14: {  	s15 =	simm.s32 $0x9080;
	s16 =	simm.s32 $0x9880;
	s17 =	simm.s32 $0xA080  }
0x15: {  	s19 =	simm.s32 $0xB080;
	s21 =	simm.s32 $0xC080;
	s22 =	simm.s32 $0xC880  }
0x16: {  	s23 =	simm.s32 $0xD080;
	s24 =	simm.s32 $0xD880;
	s25 =	simm.s32 $0xE080  }
0x17: {  	s26 =	simm.s32 $0xE880;
	s5 =	sshrl.u32 s3, $0x3;
	s7 =	sshll.u32 s3, $0x4  }
0x18: {  	s3 =	sshll.u32 s3, $0x7;
	s20 =	ssub.s32 s4, s18;
	s4 =	sadd.s32 $0x9900, s6  }
0x19: {  	s18 =	simm.s32 $0xA880;
	s5 =	sadd.s32 s5, s6;
	s7 =	sadd.s32 s7, s6  }
0x1a: {  	s1 =	sadd.s32 s1, s3;
	s3 =	sadd.s32 $0x9800, s6;
	s5 =	sadd.s32 $0x9600, s5  }
0x1b: {  	v2 =	vlaneseq.u32;
	[dreg:$0x6] =	wrdreg s1;
	s11 =	sadd.s32 $0x1600, s7;
	s7 =	smax.u32 s20, $0x1  }
0x1c: {  	vm0 =	vmmov $0xffff;
	v1 =	vshrl.u32 v2, $0x3;
	s20 =	simm.s32 $0xB880;
	s1 =	simm.s32 $0x2;
	[dreg:$0x5] =	wrdreg s5  }
0x1d: {  	v0 =	vand.u32 $0x7, v2;
	v2 =	vor.u32 $0x8, v2;
	v1 =	vmul.u32 $0x8, v1;
	[dreg:$0x7] =	wrdreg s11;
	s5 =	sadd.s32 $0x9A00, s6;
	s6 =	sadd.s32 $0x9B00, s6  }
.LBB2_1:
0x1e: {  	s0 =	rddreg [dreg:$0x5]  }
0x1f: {  	[tilespmem:s2], [sflag:$0x3] =	stream.linear.gather [hbm4b:s0+s2], $0x40, $0x38;
	[tilespmem:$0x12080] =	vst v63  }
0x20: {  	_ =	swait.ge [sflag:s8], $0x40  }
0x21: {  	[sflag:s8] =	ssyncset.done $0x0  }
0x22: {  	s11 =	rddreg [dreg:$0x6];
	[sflag:s8] =	ssyncadd.s32 $0xFFFFFFC0  }
0x23: {  	[tilespmem:s9], [sflag:$0x3] =	stream.linear.gather [hbm4b:s11+s2], $0x10000, $0x38;
	[tilespmem:$0x12080] =	vst v63  }
0x24: {  	_ =	swait.ge [sflag:s8], $0x10000  }
0x25: {  	[sflag:s8] =	ssyncset.done $0x0  }
0x26: {  	s11 =	rddreg [dreg:$0x7];
	[sflag:s8] =	ssyncadd.s32 $0xFFFF0000  }
0x27: {  	[tilespmem:s10], [sflag:$0x3] =	stream.linear.gather [hbm4b:s11+s2], $0x2000, $0x38;
	[tilespmem:$0x12080] =	vst v63  }
0x28: {  	_ =	swait.ge [sflag:s8], $0x2000  }
0x29: {  	[sflag:s8] =	ssyncset.done $0x0  }
0x2a: {  	[sflag:s8] =	ssyncadd.s32 $0xFFFFE000  }
0x2b: {  	v3 =	vld [tilespmem:$0x0];
	_ =	sdelay $0x4  }
0x2c: {  	v4 =	vshll.u32 v3, $0x3  }
0x2d: {  	v3 =	vand.u32 $0x7, v3;
	v4 =	vand.u32 $0xFFFFFFC0, v4  }
0x2e: {  	v3 =	vor.u32 v3, v4  }
0x2f: {  	v4 =	vperm.xlane v3, v0;
	_ =	sdelay $0x1  }
0x30: {  	v4 =	vadd.s32 v1, v4;
	_ =	sdelay $0x4  }
0x31: {  	[hbm4b:s3+s2] =	stream.indirect_vreg.scatter [tilespmem:s9], [sflag:$0x1], $0x80, v4, vm0, $0xb8;
	[tilespmem:$0x12080] =	vst v63  }
0x32: {  	s0 =	rddreg [dreg:$0x8];
	v3 =	vperm.xlane v3, v2  }
0x33: {  	[hbm4b:s4+s2] =	stream.indirect_vreg.scatter [tilespmem:s0], [sflag:$0x1], $0x80, v4, vm0, $0xb8;
	[tilespmem:$0x12080] =	vst v63  }
0x34: {  	s11 =	rddreg [dreg:$0x9];
	v3 =	vadd.s32 v1, v3  }
0x35: {  	[hbm4b:s5+s2] =	stream.indirect_vreg.scatter [tilespmem:s11], [sflag:$0x1], $0x80, v4, vm0, $0xb8;
	[tilespmem:$0x12080] =	vst v63  }
0x36: {  	s0 =	rddreg [dreg:$0xa]  }
0x37: {  	[hbm4b:s6+s2] =	stream.indirect_vreg.scatter [tilespmem:s0], [sflag:$0x1], $0x80, v4, vm0, $0xb8;
	[tilespmem:$0x12080] =	vst v63  }
0x38: {  	s11 =	rddreg [dreg:$0xb]  }
0x39: {  	[hbm4b:s3+s2] =	stream.indirect_vreg.scatter [tilespmem:s11], [sflag:$0x1], $0x80, v3, vm0, $0xb8;
	[tilespmem:$0x12080] =	vst v63  }
0x3a: {  	s0 =	rddreg [dreg:$0xc]  }
0x3b: {  	[hbm4b:s4+s2] =	stream.indirect_vreg.scatter [tilespmem:s0], [sflag:$0x1], $0x80, v3, vm0, $0xb8;
	[tilespmem:$0x12080] =	vst v63  }
0x3c: {  	s11 =	rddreg [dreg:$0xd]  }
0x3d: {  	[hbm4b:s5+s2] =	stream.indirect_vreg.scatter [tilespmem:s11], [sflag:$0x1], $0x80, v3, vm0, $0xb8;
	[tilespmem:$0x12080] =	vst v63  }
0x3e: {  	s0 =	rddreg [dreg:$0xe]  }
0x3f: {  	[hbm4b:s6+s2] =	stream.indirect_vreg.scatter [tilespmem:s0], [sflag:$0x1], $0x80, v3, vm0, $0xb8;
	[tilespmem:$0x12080] =	vst v63  }
0x40: {  	v3 =	vld [tilespmem:$0x10];
	_ =	sdelay $0x4  }
0x41: {  	v61 =	vshll.u32 v3, $0x3  }
0x42: {  	v3 =	vand.u32 $0x7, v3;
	v4 =	vand.u32 $0xFFFFFFC0, v61  }
0x43: {  	v3 =	vor.u32 v3, v4  }
0x44: {  	v4 =	vperm.xlane v3, v0;
	_ =	sdelay $0x1  }
0x45: {  	v4 =	vadd.s32 v1, v4;
	_ =	sdelay $0x3  }
0x46: {  	s0 =	rddreg [dreg:$0xf]  }
0x47: {  	[hbm4b:s3+s2] =	stream.indirect_vreg.scatter [tilespmem:s0], [sflag:$0x1], $0x80, v4, vm0, $0xb8;
	[tilespmem:$0x12080] =	vst v63  }
0x48: {  	s11 =	rddreg [dreg:$0x10];
	v3 =	vperm.xlane v3, v2  }
0x49: {  	[hbm4b:s4+s2] =	stream.indirect_vreg.scatter [tilespmem:s11], [sflag:$0x1], $0x80, v4, vm0, $0xb8;
	[tilespmem:$0x12080] =	vst v63  }
0x4a: {  	v3 =	vadd.s32 v1, v3;
	s0 =	rddreg [dreg:$0x11]  }
0x4b: {  	[hbm4b:s5+s2] =	stream.indirect_vreg.scatter [tilespmem:s0], [sflag:$0x1], $0x80, v4, vm0, $0xb8;
	[tilespmem:$0x12080] =	vst v63  }
0x4c: {  	s11 =	rddreg [dreg:$0x12]  }
0x4d: {  	[hbm4b:s6+s2] =	stream.indirect_vreg.scatter [tilespmem:s11], [sflag:$0x1], $0x80, v4, vm0, $0xb8;
	[tilespmem:$0x12080] =	vst v63  }
0x4e: {  	s0 =	rddreg [dreg:$0x13]  }
0x4f: {  	[hbm4b:s3+s2] =	stream.indirect_vreg.scatter [tilespmem:s0], [sflag:$0x1], $0x80, v3, vm0, $0xb8;
	[tilespmem:$0x12080] =	vst v63  }
0x50: {  	s11 =	rddreg [dreg:$0x14]  }
0x51: {  	[hbm4b:s4+s2] =	stream.indirect_vreg.scatter [tilespmem:s11], [sflag:$0x1], $0x80, v3, vm0, $0xb8;
	[tilespmem:$0x12080] =	vst v63  }
0x52: {  	s11 =	simm.s32 $0x7080  }
0x53: {  	[hbm4b:s5+s2] =	stream.indirect_vreg.scatter [tilespmem:s11], [sflag:$0x1], $0x80, v3, vm0, $0xb8;
	[tilespmem:$0x12080] =	vst v63  }
0x54: {  	_ = 	snop  }
0x55: {  	[hbm4b:s6+s2] =	stream.indirect_vreg.scatter [tilespmem:s12], [sflag:$0x1], $0x80, v3, vm0, $0xb8;
	[tilespmem:$0x12080] =	vst v63  }
0x56: {  	v3 =	vld [tilespmem:$0x20];
	_ =	sdelay $0x4  }
0x57: {  	v62 =	vshll.u32 v3, $0x3  }
0x58: {  	v3 =	vand.u32 $0x7, v3;
	v4 =	vand.u32 $0xFFFFFFC0, v62  }
0x59: {  	v3 =	vor.u32 v3, v4  }
0x5a: {  	v4 =	vperm.xlane v3, v0;
	_ =	sdelay $0x1  }
0x5b: {  	v4 =	vadd.s32 v1, v4;
	_ =	sdelay $0x4  }
0x5c: {  	[hbm4b:s3+s2] =	stream.indirect_vreg.scatter [tilespmem:s13], [sflag:$0x1], $0x80, v4, vm0, $0xb8;
	[tilespmem:$0x12080] =	vst v63  }
0x5d: {  	v3 =	vperm.xlane v3, v2  }
0x5e: {  	[hbm4b:s4+s2] =	stream.indirect_vreg.scatter [tilespmem:s14], [sflag:$0x1], $0x80, v4, vm0, $0xb8;
	[tilespmem:$0x12080] =	vst v63  }
0x5f: {  	v3 =	vadd.s32 v1, v3  }
0x60: {  	[hbm4b:s5+s2] =	stream.indirect_vreg.scatter [tilespmem:s15], [sflag:$0x1], $0x80, v4, vm0, $0xb8;
	[tilespmem:$0x12080] =	vst v63  }
0x61: {  	_ = 	snop  }
0x62: {  	[hbm4b:s6+s2] =	stream.indirect_vreg.scatter [tilespmem:s16], [sflag:$0x1], $0x80, v4, vm0, $0xb8;
	[tilespmem:$0x12080] =	vst v63  }
0x63: {  	_ = 	snop  }
0x64: {  	[hbm4b:s3+s2] =	stream.indirect_vreg.scatter [tilespmem:s17], [sflag:$0x1], $0x80, v3, vm0, $0xb8;
	[tilespmem:$0x12080] =	vst v63  }
0x65: {  	_ = 	snop  }
0x66: {  	[hbm4b:s4+s2] =	stream.indirect_vreg.scatter [tilespmem:s18], [sflag:$0x1], $0x80, v3, vm0, $0xb8;
	[tilespmem:$0x12080] =	vst v63  }
0x67: {  	_ = 	snop  }
0x68: {  	[hbm4b:s5+s2] =	stream.indirect_vreg.scatter [tilespmem:s19], [sflag:$0x1], $0x80, v3, vm0, $0xb8;
	[tilespmem:$0x12080] =	vst v63  }
0x69: {  	_ = 	snop  }
0x6a: {  	[hbm4b:s6+s2] =	stream.indirect_vreg.scatter [tilespmem:s20], [sflag:$0x1], $0x80, v3, vm0, $0xb8;
	[tilespmem:$0x12080] =	vst v63  }
0x6b: {  	v3 =	vld [tilespmem:$0x30];
	_ =	sdelay $0x4  }
0x6c: {  	v63 =	vshll.u32 v3, $0x3  }
0x6d: {  	v3 =	vand.u32 $0x7, v3;
	v4 =	vand.u32 $0xFFFFFFC0, v63  }
0x6e: {  	v3 =	vor.u32 v3, v4  }
0x6f: {  	v4 =	vperm.xlane v3, v0;
	_ =	sdelay $0x1  }
0x70: {  	v4 =	vadd.s32 v1, v4;
	_ =	sdelay $0x4  }
0x71: {  	[hbm4b:s3+s2] =	stream.indirect_vreg.scatter [tilespmem:s21], [sflag:$0x1], $0x80, v4, vm0, $0xb8;
	[tilespmem:$0x12080] =	vst v63  }
0x72: {  	v3 =	vperm.xlane v3, v2  }
0x73: {  	[hbm4b:s4+s2] =	stream.indirect_vreg.scatter [tilespmem:s22], [sflag:$0x1], $0x80, v4, vm0, $0xb8;
	[tilespmem:$0x12080] =	vst v63  }
0x74: {  	v3 =	vadd.s32 v1, v3  }
0x75: {  	[hbm4b:s5+s2] =	stream.indirect_vreg.scatter [tilespmem:s23], [sflag:$0x1], $0x80, v4, vm0, $0xb8;
	[tilespmem:$0x12080] =	vst v63  }
0x76: {  	_ = 	snop  }
0x77: {  	[hbm4b:s6+s2] =	stream.indirect_vreg.scatter [tilespmem:s24], [sflag:$0x1], $0x80, v4, vm0, $0xb8;
	[tilespmem:$0x12080] =	vst v63  }
0x78: {  	_ = 	snop  }
0x79: {  	[hbm4b:s3+s2] =	stream.indirect_vreg.scatter [tilespmem:s25], [sflag:$0x1], $0x80, v3, vm0, $0xb8;
	[tilespmem:$0x12080] =	vst v63  }
0x7a: {  	_ = 	snop  }
0x7b: {  	[hbm4b:s4+s2] =	stream.indirect_vreg.scatter [tilespmem:s26], [sflag:$0x1], $0x80, v3, vm0, $0xb8;
	[tilespmem:$0x12080] =	vst v63  }
0x7c: {  	_ = 	snop  }
0x7d: {  	[hbm4b:s5+s2] =	stream.indirect_vreg.scatter [tilespmem:s28], [sflag:$0x1], $0x80, v3, vm0, $0xb8;
	[tilespmem:$0x12080] =	vst v63  }
0x7e: {  	_ = 	snop  }
0x7f: {  	[hbm4b:s6+s2] =	stream.indirect_vreg.scatter [tilespmem:s29], [sflag:$0x1], $0x80, v3, vm0, $0xb8;
	[tilespmem:$0x12080] =	vst v63  }
0x80: {  	s11 =	rddreg [dreg:$0x4]  }
0x81: {  	[hbm4b:s11+s30] =	stream.indirect.scatter [tilespmem:s10], [sflag:$0x2], $0x80, s2, s30, $0xb8;
	[tilespmem:$0x12080] =	vst v63  }
0x82: {  	p0 =	sne.s32 s7, $0x1;
	_ =	swait.ge [sflag:s31], $0x10000  }
.Ltmp0:
0x83: {  	[sflag:s31] =	ssyncset.done $0x0;
	(pc) =	sbr.rel @p0 .LBB2_1-.Ltmp0, $4  }
0x84: {  	[sflag:s31] =	ssyncadd.s32 $0xFFFF0000  }
0x85: {  	_ =	swait.ge [sflag:s1], $0x2000  }
0x86: {  	[sflag:s1] =	ssyncset.done $0x0  }
0x87: {  	s7 =	sadd.s32 $0xFFFFFFFF, s7;
	[sflag:s1] =	ssyncadd.s32 $0xFFFFE000  }
0x88: {  	_ =	sfence.sel $0x180000  }
0x89: {  	[bflag:$0x0] =	sbarrier.arrive $0xFFFF  }
0x8a: {  	_ =	strace $0x90000047  }
0x8b: {  	s0 =	stileid.u32;
	[bflag:$0x2] =	sbarrier.arrive $0xFFFF  }
0x8c: {  	p0 =	sne.s32 s0, $0x0;
	s0 =	rddreg [dreg:$0x3]  }
0x8d: {  	s0 =	sadd.s32 @!p0 $0x100000, s0  }
0x8e: {  	[sflag:s0] =	ssyncadd.tile.s32 @!p0 $0x1;
	_ =	shalt  }
.Lfunc_end2:
_tile_overlayer_lowered:
.L_overlay_start_2:
0x8f: {  	(tag) =	ssettag $0x2  }
0x90: {  	s0 =	rddreg [dreg:$0x0];
	s2 =	stileid.u32  }
0x91: {  	s1 =	rddreg [dreg:$0x1];
	p0 =	sne.s32 s2, $0x0  }
0x92: {  	s3 =	rddreg [dreg:$0x2];
	[bflag:$0x3] =	sbarrier.arrive $0xFFFF;
	s2 =	simm.s32 @!p0 $0x1C03  }
0x93: {  	[timem:s3], [sflag:s2] =	dma.local @!p0 [hbm:s0], s1  }
0x94: {  	s0 =	simm.s32 @!p0 $0x3  }
0x95: {  	_ =	swait.ge @!p0 [sflag:s0], s1  }
0x96: {  	s1 =	ssub.s32 @!p0 $0x0, s1;
	[sflag:s0] =	ssyncset.done @!p0 $0x0  }
0x97: {  	[sflag:s0] =	ssyncadd.s32 @!p0 s1  }
0x98: {  	[bflag:$0x3] =	sbarrier.arrive $0xFFFF  }
0x99: {  	_ =	shalt  }

// kernel: kernel.9.cloned.1.call-start
scs
__scs_entry_jumppad:
0x0: {  	(pc) =	sbr.rel $0x88, $3  }
0x1: {  	(tag) =	ssettag $0x0;
	lr =	simm.s32 $0x1  }
0x2: {  	[smem:$0x3F9D] =	sst lr;
	_ =	strace $0xD0000000  }
0x3: {  	_ = 	snop  }
0x4: {  	_ = 	snop  }
0x5: {  	_ = 	snop  }
0x6: {  	_ = 	snop  }
0x7: {  	_ = 	snop  }
__scs_overlays_trampoline_lowered:
0x8: {  	[smem:$0x3FAC] =	sst s0  }
0x9: {  	[smem:$0x3FAD] =	sst s1  }
0xa: {  	[smem:$0x3FAE] =	sst s2  }
0xb: {  	[smem:$0x3FAF] =	sst s3  }
0xc: {  	[smem:$0x3FB0] =	sst s4  }
0xd: {  	[smem:$0x3FB1] =	sst s5  }
0xe: {  	[smem:$0x3FB2] =	sst s6  }
0xf: {  	[smem:$0x3FB3] =	sst s7  }
0x10: {  	[smem:$0x3FB4] =	sst s8  }
0x11: {  	[smem:$0x3FB5] =	sst s9;
	s0 =	simm.s32 @!p0 $0x0  }
0x12: {  	s1 =	sld [smem:$0x3F9B];
	s0 =	simm.s32 @p0 $0x1  }
0x13: {  	[smem:$0x3FB6] =	sst s0;
	s0 =	simm.s32 @!p1 $0x0  }
0x14: {  	s2 =	sld [smem:$0x3F9A];
	s0 =	simm.s32 @p1 $0x1  }
0x15: {  	[smem:$0x3FB7] =	sst s0;
	s0 =	simm.s32 @!p2 $0x0  }
0x16: {  	s3 =	sld [smem:$0x3FDB];
	s0 =	simm.s32 @p2 $0x1  }
0x17: {  	s4 =	simm.s32 $0x1BF5;
	[smem:$0x3FB9] =	sst s0  }
0x18: {  	s0 =	sld [smem:$0x3F9C];
	_ =	swait.ge [sflag:s4], $0x0  }
0x19: {  	s7 =	sld [smem:$0x3F9D]  }
0x1a: {  	s8 =	sadd.s32 $0xFFFFE003, lr  }
0x1b: {  	s9 =	sadd.s32 $0xFFFFFEF7, lr;
	s5 =	simm.s32 $0xFFFFFFFF;
	p2 =	slt.u32 s8, $0xFFFFF086  }
0x1c: {  	p1 =	slt.u32 s9, $0xF7A;
	s5 =	simm.s32 @!p2 $0x0  }
0x1d: {  	s5 =	simm.s32 @p1 $0x1;
	p0 =	seq.s32 s7, s2  }
0x1e: {  	s7 =	smul.u32 @!p0 $0xF7A, s2;
	p2 =	seq.s32 @!p0 s5, $0x0  }
0x1f: {  	s9 =	smul.u32 $0xF7A, s1;
	s8 =	simm.s32 @!p0 $0x1BF5;
	p2 =	por !p2, p0  }
0x20: {  	[sflag:s8] =	ssyncset.s32 @!p0 $0xFFFFF086;
	s6 =	sadd.s32 @!p0 s3, s7;
	s7 =	simm.s32 @!p0 $0x108  }
0x21: {  	s3 =	sadd.s32 s3, s9;
	s6 =	sadd.s32 @!p0 $0x88, s6;
	s7 =	simm.s32 @p2 $0x1082  }
0x22: {  	[simem:s7], [sflag:s8] =	dma.local @!p0 [hbm:s6], $0xF7A  }
0x23: {  	s9 =	sor.u32 $0xD0000000, s2;
	s6 =	simm.s32 $0x108;
	_ =	swait.ge @!p0 [sflag:s8], $0x0  }
0x24: {  	s3 =	sadd.s32 $0x88, s3;
	s6 =	simm.s32 @!p1 $0x1082;
	[sflag:s4] =	ssyncset.s32 $0xFFFFF086  }
0x25: {  	[simem:s6], [sflag:s4] =	dma.local [hbm:s3], $0xF7A  }
0x26: {  	[smem:$0x3F9D] =	sst s1;
	(tag) =	ssettag s2;
	_ =	strace s9  }
0x27: {  	s1 =	sld [smem:$0x3FAD]  }
0x28: {  	s2 =	sld [smem:$0x3FAE]  }
0x29: {  	s4 =	sld [smem:$0x3FB0]  }
0x2a: {  	p0 =	seq.s32 s5, $0x0;
	s5 =	sld [smem:$0x3FB1]  }
0x2b: {  	s6 =	sld [smem:$0x3FB2]  }
0x2c: {  	s7 =	sld [smem:$0x3FB3]  }
0x2d: {  	s3 =	simm.s32 $0x108;
	s8 =	sld [smem:$0x3FB4]  }
0x2e: {  	s3 =	simm.s32 @!p0 $0x1082;
	s9 =	sld [smem:$0x3FB5]  }
0x2f: {  	lr =	sadd.s32 s0, s3;
	s0 =	sld [smem:$0x3FAC]  }
0x30: {  	s3 =	sld [smem:$0x3FAF]  }
0x31: {  	[smem:$0x3FB8] =	sst s10  }
0x32: {  	s10 =	sld [smem:$0x3FB6];
	_ =	sdelay $0x3  }
0x33: {  	p0 =	seq.s32 s10, $0x1;
	s10 =	sld [smem:$0x3FB8];
	_ =	sdelay $0x3  }
0x34: {  	[smem:$0x3FB8] =	sst s10  }
0x35: {  	s10 =	sld [smem:$0x3FB7];
	_ =	sdelay $0x3  }
0x36: {  	p1 =	seq.s32 s10, $0x1;
	s10 =	sld [smem:$0x3FB8];
	_ =	sdelay $0x3  }
0x37: {  	[smem:$0x3FB8] =	sst s10  }
0x38: {  	s10 =	sld [smem:$0x3FB9]  }
0x39: {  	_ = 	snop;
	(pc) =	sbr.ind lr, $3  }
0x3a: {  	_ = 	snop  }
0x3b: {  	_ = 	snop  }
0x3c: {  	p2 =	seq.s32 s10, $0x1;
	s10 =	sld [smem:$0x3FB8]  }
0x3d: {  	_ =	shalt  }
0x3e: {  	_ =	shalt  }
0x3f: {  	_ =	shalt  }
0x40: {  	_ =	shalt  }
0x41: {  	_ =	shalt  }
0x42: {  	_ =	shalt  }
0x43: {  	_ =	shalt  }
0x44: {  	_ =	shalt  }
0x45: {  	_ =	shalt  }
0x46: {  	_ =	shalt  }
0x47: {  	_ =	shalt  }
0x48: {  	_ =	shalt  }
0x49: {  	_ =	shalt  }
0x4a: {  	_ =	shalt  }
0x4b: {  	_ =	shalt  }
0x4c: {  	_ =	shalt  }
0x4d: {  	_ =	shalt  }
0x4e: {  	_ =	shalt  }
0x4f: {  	_ =	shalt  }
0x50: {  	_ =	shalt  }
0x51: {  	_ =	shalt  }
0x52: {  	_ =	shalt  }
0x53: {  	_ =	shalt  }
0x54: {  	_ =	shalt  }
0x55: {  	_ =	shalt  }
0x56: {  	_ =	shalt  }
0x57: {  	_ =	shalt  }
0x58: {  	_ =	shalt  }
0x59: {  	_ =	shalt  }
0x5a: {  	_ =	shalt  }
0x5b: {  	_ =	shalt  }
0x5c: {  	_ =	shalt  }
0x5d: {  	_ =	shalt  }
0x5e: {  	_ =	shalt  }
0x5f: {  	_ =	shalt  }
0x60: {  	_ =	shalt  }
0x61: {  	_ =	shalt  }
0x62: {  	_ =	shalt  }
0x63: {  	_ =	shalt  }
0x64: {  	_ =	shalt  }
0x65: {  	_ =	shalt  }
0x66: {  	_ =	shalt  }
0x67: {  	_ =	shalt  }
0x68: {  	_ =	shalt  }
0x69: {  	_ =	shalt  }
0x6a: {  	_ =	shalt  }
0x6b: {  	_ =	shalt  }
0x6c: {  	_ =	shalt  }
0x6d: {  	_ =	shalt  }
0x6e: {  	_ =	shalt  }
0x6f: {  	_ =	shalt  }
0x70: {  	_ =	shalt  }
0x71: {  	_ =	shalt  }
0x72: {  	_ =	shalt  }
0x73: {  	_ =	shalt  }
0x74: {  	_ =	shalt  }
0x75: {  	_ =	shalt  }
0x76: {  	_ =	shalt  }
0x77: {  	_ =	shalt  }
0x78: {  	_ =	shalt  }
0x79: {  	_ =	shalt  }
0x7a: {  	_ =	shalt  }
0x7b: {  	_ =	shalt  }
0x7c: {  	_ =	shalt  }
0x7d: {  	_ =	shalt  }
0x7e: {  	_ =	shalt  }
0x7f: {  	_ =	shalt  }
0x80: {  	_ =	shalt  }
0x81: {  	_ =	shalt  }
0x82: {  	_ =	shalt  }
0x83: {  	_ =	shalt  }
0x84: {  	_ =	shalt  }
0x85: {  	_ =	shalt  }
0x86: {  	_ =	shalt  }
0x87: {  	_ =	shalt  }
.Lfunc_end0:
.L_simem_size_0:
called_computation.1_lowered:
.L_overlay_start_0:
0x88: {  	s2 =	sld [smem:$0x3FD9]  }
0x89: {  	s3 =	sld [smem:$0x3FFE];
	_ =	sdelay $0x1  }
0x8a: {  	s1 =	srdreg.scid  }
0x8b: {  	s0 =	sand.u32 $0x1, s1  }
0x8c: {  	s14 =	sshll.u32 s0, $0xA;
	s2 =	sadd.s32 s3, s2  }
0x8d: {  	s2 =	sadd.s32 s2, s14  }
0x8e: {  	[smem:$0x3FC4] =	sst s2  }
0x8f: {  	_ = 	snop  }
0x90: {  	s2 =	sld [smem:$0x3FD0];
	_ =	sdelay $0x2  }
0x91: {  	s15 =	simm.s32 $0xA;
	s4 =	simm.s32 $0x10  }
0x92: {  	[smem:s4], [sflag:s15] =	dma.local [hbm:s2], $0x1  }
0x93: {  	_ =	swait.eq [sflag:s15], $0x1  }
0x94: {  	[sflag:s15] =	ssyncset.done $0x0  }
0x95: {  	[sflag:s15] =	ssyncadd.s32 $0xFFFFFFFF  }
0x96: {  	s16 =	sld [smem:$0x10];
	(tm) =	ssettm $0x1  }
0x97: {  	s17 =	sld [smem:$0x3FFB];
	_ =	sdelay $0x3  }
0x98: {  	_ =	strace s17  }
0x99: {  	s3 =	sld [smem:$0x3FFC];
	_ =	sdelay $0x3  }
0x9a: {  	_ =	strace s3  }
0x9b: {  	s3 =	sld [smem:$0x3FFD];
	_ =	sdelay $0x3  }
0x9c: {  	_ =	strace s3  }
0x9d: {  	_ =	strace $0x8FFFFFFF  }
0x9e: {  	s18 =	sld [smem:$0x3FDB];
	_ =	sdelay $0x1  }
0x9f: {  	s19 =	simm.s32 $_scs_section_size  }
0xa0: {  	s5 =	simm.s32 $_size__tile_overlayer_lowered;
	s6 =	simm.s32 $_tile_overlayer_lowered  }
0xa1: {  	s22 =	simm.s32 $0x1BFF;
	s21 =	sshll.u32 s6, $0x1;
	s3 =	sadd.s32 s19, s18  }
0xa2: {  	s7 =	simm.s32 $0x0;
	s20 =	sshll.u32 s5, $0x1;
	s5 =	sadd.s32 s21, s3  }
0xa3: {  	[timem:s7], [sflag:s22] =	dma.local [hbm:s5], s20  }
0xa4: {  	_ =	swait.ge [sflag:s22], s20  }
0xa5: {  	s4 =	ssub.s32 $0x0, s20;
	[sflag:s22] =	ssyncset.done $0x0  }
0xa6: {  	[sflag:s22] =	ssyncadd.s32 s4;
	_ =	sdelay $0x1  }
0xa7: {  	s23 =	simm.s32 $0x1B8B  }
0xa8: {  	_ =	swait.ge [sflag:s23], $0x1  }
0xa9: {  	[sflag:s23] =	ssyncset.done $0x0  }
0xaa: {  	s25 =	simm.s32 $0x1B8E;
	s24 =	sld [smem:$0x3FFE];
	[sflag:s23] =	ssyncadd.s32 $0xFFFFFFFF  }
0xab: {  	s26 =	simm.s32 $execute0_lowered;
	[smem:$0x3FD2] =	sst s25  }
0xac: {  	s5 =	sshll.u32 s26, $0x1;
	_ =	strace $0x80000049;
	[dreg:$0x1] =	wrdreg $0xFFFFFFFF  }
0xad: {  	s28 =	simm.s32 $_size_execute0_lowered;
	s3 =	sadd.s32 s3, s5;
	[dreg:$0x0] =	wrdreg $0x0  }
0xae: {  	s5 =	sshll.u32 s28, $0x1;
	[dreg:$0x2] =	wrdreg s3  }
0xaf: {  	[dreg:$0x3] =	wrdreg s5  }
0xb0: {  	[dreg:$0x4] =	wrdreg $0xC0  }
0xb1: {  	_ =	task [dreg:s7], $0x5FFFF  }
0xb2: {  	[dreg:$0x1] =	wrdreg $0xFFFFFFFF  }
0xb3: {  	[dreg:$0x0] =	wrdreg $0x60  }
0xb4: {  	[dreg:$0x2] =	wrdreg s24  }
0xb5: {  	[dreg:$0x3] =	wrdreg s16  }
0xb6: {  	[dreg:$0x4] =	wrdreg $0x9  }
0xb7: {  	_ =	task.clear_ibuf [dreg:s7], $0x5FFFF;
	_ =	strace $0x90000049  }
0xb8: {  	s29 =	simm.s32 $0x9;
	_ =	strace $0x8000004B  }
0xb9: {  	_ =	swait.ge [sflag:s29], $0x1  }
0xba: {  	[sflag:s29] =	ssyncadd.s32 $0xFFFFFFFF  }
0xbb: {  	_ =	strace $0x9000004B  }
0xbc: {  	_ =	sfence  }
0xbd: {  	s30 =	sld [smem:$0x0];
	_ =	sdelay $0x2  }
0xbe: {  	s31 =	sshll.u32 s1, $0xD;
	s1 =	sshrl.u32 s1, $0x2  }
0xbf: {  	s3 =	sand.u32 $0x4000, s31;
	s1 =	sadd.s32 s1, s30  }
0xc0: {  	s0 =	sor.u32 s3, s0;
	s1 =	sshll.u32 s1, $0x11  }
0xc1: {  	s0 =	sor.u32 s1, s0  }
0xc2: {  	s0 =	sadd.s32 $0x8F2B, s0  }
0xc3: {  	[sflag:s0] =	ssyncadd.remote.s32 $0x1  }
0xc4: {  	_ =	sfence.sel $0xFFFF  }
0xc5: {  	[dreg:$0x0] =	wrdreg $0xFFFFFFFF;
	(pc) =	sbr.abs _section_cstart, $3  }
0xc6: {  	[dreg:$0x1] =	wrdreg $0xFFFFFFFF  }
0xc7: {  	_ =	task.clear_ibuf [dreg:s7], $0x2FFFF;
	_ =	strace $0x9FFFFFFF  }
0xc8: {  	(tm) =	ssettm $0x7FFFFFFF  }
0xc9: {  	_ =	shalt  }
tec
execute0_lowered:
.L_overlay_start_1:
0x0: {  	(tag) =	ssettag $0x1  }
0x1: {  	s1 =	srdreg.scid  }
0x2: {  	s0 =	stileid.u32;
	s6 =	rddreg [dreg:$0x0]  }
0x3: {  	s4 =	rddreg [dreg:$0x1];
	s18 =	simm.s32 $0x880;
	s19 =	simm.s32 $0x1080  }
0x4: {  	s20 =	simm.s32 $0x1880;
	s22 =	simm.s32 $0x2080;
	s23 =	simm.s32 $0x2880  }
0x5: {  	s7 =	simm.s32 $0x3080;
	s24 =	simm.s32 $0x3880;
	s8 =	simm.s32 $0x4080  }
0x6: {  	s25 =	simm.s32 $0x4880;
	s26 =	simm.s32 $0x5080;
	s1 =	sand.u32 $0x1, s1  }
0x7: {  	s9 =	simm.s32 $0x80;
	s2 =	sshll.u32 s0, $0x7;
	s3 =	sshll.u32 s1, $0x6  }
0x8: {  	s11 =	simm.s32 $0x6080;
	s3 =	sor.u32 s3, s2;
	s2 =	simm.s32 $0x0  }
0x9: {  	s12 =	simm.s32 $0x6880;
	s13 =	simm.s32 $0x7080;
	[smem:$0x7FF] =	sst s2  }
0xa: {  	s14 =	simm.s32 $0x7880;
	_ =	strace $0x8000004A;
	[dreg:$0x5] =	wrdreg s18  }
0xb: {  	s15 =	simm.s32 $0x8080;
	s16 =	simm.s32 $0x8880;
	[dreg:$0x6] =	wrdreg s19  }
0xc: {  	s17 =	simm.s32 $0x9080;
	s28 =	simm.s32 $0xE080;
	[dreg:$0x7] =	wrdreg s20  }
0xd: {  	s29 =	simm.s32 $0xE880;
	s30 =	simm.s32 $0xF080;
	[dreg:$0x8] =	wrdreg s22  }
0xe: {  	s31 =	simm.s32 $0xF880;
	s1 =	ssub.s32 $0x2, s1;
	[dreg:$0x9] =	wrdreg s23  }
0xf: {  	s21 =	sshrl.u32 s1, $0x1;
	s5 =	sshrl.u32 s3, $0x3;
	[dreg:$0xa] =	wrdreg s7  }
0x10: {  	s3 =	sshll.u32 s3, $0x7;
	s1 =	ssub.s32 s1, s21;
	[dreg:$0xb] =	wrdreg s24  }
0x11: {  	s21 =	simm.s32 $0xB080;
	s5 =	sadd.s32 s5, s6;
	[dreg:$0xc] =	wrdreg s8  }
0x12: {  	s3 =	sadd.s32 s4, s3;
	s4 =	sadd.s32 $0x9900, s6;
	[dreg:$0xd] =	wrdreg s25  }
0x13: {  	s7 =	smax.u32 s1, $0x1;
	s8 =	simm.s32 $0x2;
	[dreg:$0xe] =	wrdreg s26  }
0x14: {  	s18 =	simm.s32 $0x9880;
	s19 =	simm.s32 $0xA080;
	s20 =	simm.s32 $0xA880  }
0x15: {  	s22 =	simm.s32 $0xB880;
	s23 =	simm.s32 $0xC080;
	s24 =	simm.s32 $0xC880  }
0x16: {  	v2 =	vlaneseq.u32;
	s25 =	simm.s32 $0xD080;
	s26 =	simm.s32 $0xD880;
	s1 =	simm.s32 $0x1  }
0x17: {  	vm0 =	vmmov $0xffff;
	v1 =	vshrl.u32 v2, $0x3;
	s5 =	sadd.s32 $0x9600, s5;
	[dreg:$0x4] =	wrdreg s3;
	s3 =	sadd.s32 $0x9800, s6  }
0x18: {  	v0 =	vand.u32 $0x7, v2;
	v2 =	vor.u32 $0x8, v2;
	v1 =	vmul.u32 $0x8, v1;
	[dreg:$0x3] =	wrdreg s5;
	s5 =	sadd.s32 $0x9A00, s6;
	s6 =	sadd.s32 $0x9B00, s6  }
.LBB2_1:
0x19: {  	s0 =	rddreg [dreg:$0x3]  }
0x1a: {  	[tilespmem:s2], [sflag:$0x2] =	stream.linear.gather [hbm4b:s0+s2], $0x40, $0x38;
	[tilespmem:$0x10080] =	vst v63  }
0x1b: {  	_ =	swait.ge [sflag:s8], $0x40  }
0x1c: {  	[sflag:s8] =	ssyncset.done $0x0  }
0x1d: {  	[sflag:s8] =	ssyncadd.s32 $0xFFFFFFC0  }
0x1e: {  	v3 =	vld [tilespmem:$0x0];
	_ =	sdelay $0x4  }
0x1f: {  	v4 =	vshll.u32 v3, $0x3  }
0x20: {  	v3 =	vand.u32 $0x7, v3;
	v4 =	vand.u32 $0xFFFFFFC0, v4  }
0x21: {  	v3 =	vor.u32 v3, v4  }
0x22: {  	v4 =	vperm.xlane v3, v0;
	_ =	sdelay $0x1  }
0x23: {  	v4 =	vadd.s32 v1, v4;
	_ =	sdelay $0x4  }
0x24: {  	[tilespmem:s9], [sflag:$0x1] =	stream.indirect_vreg.gather [hbm4b:s3+s2], $0x80, v4, vm0, $0xb8;
	[tilespmem:$0x10080] =	vst v63  }
0x25: {  	s0 =	rddreg [dreg:$0x5];
	v3 =	vperm.xlane v3, v2  }
0x26: {  	[tilespmem:s0], [sflag:$0x1] =	stream.indirect_vreg.gather [hbm4b:s4+s2], $0x80, v4, vm0, $0xb8;
	[tilespmem:$0x10080] =	vst v63  }
0x27: {  	s10 =	rddreg [dreg:$0x6];
	v3 =	vadd.s32 v1, v3  }
0x28: {  	[tilespmem:s10], [sflag:$0x1] =	stream.indirect_vreg.gather [hbm4b:s5+s2], $0x80, v4, vm0, $0xb8;
	[tilespmem:$0x10080] =	vst v63  }
0x29: {  	s0 =	rddreg [dreg:$0x7]  }
0x2a: {  	[tilespmem:s0], [sflag:$0x1] =	stream.indirect_vreg.gather [hbm4b:s6+s2], $0x80, v4, vm0, $0xb8;
	[tilespmem:$0x10080] =	vst v63  }
0x2b: {  	s10 =	rddreg [dreg:$0x8]  }
0x2c: {  	[tilespmem:s10], [sflag:$0x1] =	stream.indirect_vreg.gather [hbm4b:s3+s2], $0x80, v3, vm0, $0xb8;
	[tilespmem:$0x10080] =	vst v63  }
0x2d: {  	s0 =	rddreg [dreg:$0x9]  }
0x2e: {  	[tilespmem:s0], [sflag:$0x1] =	stream.indirect_vreg.gather [hbm4b:s4+s2], $0x80, v3, vm0, $0xb8;
	[tilespmem:$0x10080] =	vst v63  }
0x2f: {  	s10 =	rddreg [dreg:$0xa]  }
0x30: {  	[tilespmem:s10], [sflag:$0x1] =	stream.indirect_vreg.gather [hbm4b:s5+s2], $0x80, v3, vm0, $0xb8;
	[tilespmem:$0x10080] =	vst v63  }
0x31: {  	s0 =	rddreg [dreg:$0xb]  }
0x32: {  	[tilespmem:s0], [sflag:$0x1] =	stream.indirect_vreg.gather [hbm4b:s6+s2], $0x80, v3, vm0, $0xb8;
	[tilespmem:$0x10080] =	vst v63  }
0x33: {  	v3 =	vld [tilespmem:$0x10];
	_ =	sdelay $0x4  }
0x34: {  	v61 =	vshll.u32 v3, $0x3  }
0x35: {  	v3 =	vand.u32 $0x7, v3;
	v4 =	vand.u32 $0xFFFFFFC0, v61  }
0x36: {  	v3 =	vor.u32 v3, v4  }
0x37: {  	v4 =	vperm.xlane v3, v0;
	_ =	sdelay $0x1  }
0x38: {  	v4 =	vadd.s32 v1, v4;
	_ =	sdelay $0x3  }
0x39: {  	s0 =	rddreg [dreg:$0xc]  }
0x3a: {  	[tilespmem:s0], [sflag:$0x1] =	stream.indirect_vreg.gather [hbm4b:s3+s2], $0x80, v4, vm0, $0xb8;
	[tilespmem:$0x10080] =	vst v63  }
0x3b: {  	s10 =	rddreg [dreg:$0xd];
	v3 =	vperm.xlane v3, v2  }
0x3c: {  	[tilespmem:s10], [sflag:$0x1] =	stream.indirect_vreg.gather [hbm4b:s4+s2], $0x80, v4, vm0, $0xb8;
	[tilespmem:$0x10080] =	vst v63  }
0x3d: {  	v3 =	vadd.s32 v1, v3;
	s0 =	rddreg [dreg:$0xe]  }
0x3e: {  	[tilespmem:s0], [sflag:$0x1] =	stream.indirect_vreg.gather [hbm4b:s5+s2], $0x80, v4, vm0, $0xb8;
	[tilespmem:$0x10080] =	vst v63  }
0x3f: {  	s10 =	simm.s32 $0x5880  }
0x40: {  	[tilespmem:s10], [sflag:$0x1] =	stream.indirect_vreg.gather [hbm4b:s6+s2], $0x80, v4, vm0, $0xb8;
	[tilespmem:$0x10080] =	vst v63  }
0x41: {  	_ = 	snop  }
0x42: {  	[tilespmem:s11], [sflag:$0x1] =	stream.indirect_vreg.gather [hbm4b:s3+s2], $0x80, v3, vm0, $0xb8;
	[tilespmem:$0x10080] =	vst v63  }
0x43: {  	_ = 	snop  }
0x44: {  	[tilespmem:s12], [sflag:$0x1] =	stream.indirect_vreg.gather [hbm4b:s4+s2], $0x80, v3, vm0, $0xb8;
	[tilespmem:$0x10080] =	vst v63  }
0x45: {  	_ = 	snop  }
0x46: {  	[tilespmem:s13], [sflag:$0x1] =	stream.indirect_vreg.gather [hbm4b:s5+s2], $0x80, v3, vm0, $0xb8;
	[tilespmem:$0x10080] =	vst v63  }
0x47: {  	_ = 	snop  }
0x48: {  	[tilespmem:s14], [sflag:$0x1] =	stream.indirect_vreg.gather [hbm4b:s6+s2], $0x80, v3, vm0, $0xb8;
	[tilespmem:$0x10080] =	vst v63  }
0x49: {  	v3 =	vld [tilespmem:$0x20];
	_ =	sdelay $0x4  }
0x4a: {  	v62 =	vshll.u32 v3, $0x3  }
0x4b: {  	v3 =	vand.u32 $0x7, v3;
	v4 =	vand.u32 $0xFFFFFFC0, v62  }
0x4c: {  	v3 =	vor.u32 v3, v4  }
0x4d: {  	v4 =	vperm.xlane v3, v0;
	_ =	sdelay $0x1  }
0x4e: {  	v4 =	vadd.s32 v1, v4;
	_ =	sdelay $0x4  }
0x4f: {  	[tilespmem:s15], [sflag:$0x1] =	stream.indirect_vreg.gather [hbm4b:s3+s2], $0x80, v4, vm0, $0xb8;
	[tilespmem:$0x10080] =	vst v63  }
0x50: {  	v3 =	vperm.xlane v3, v2  }
0x51: {  	[tilespmem:s16], [sflag:$0x1] =	stream.indirect_vreg.gather [hbm4b:s4+s2], $0x80, v4, vm0, $0xb8;
	[tilespmem:$0x10080] =	vst v63  }
0x52: {  	v3 =	vadd.s32 v1, v3  }
0x53: {  	[tilespmem:s17], [sflag:$0x1] =	stream.indirect_vreg.gather [hbm4b:s5+s2], $0x80, v4, vm0, $0xb8;
	[tilespmem:$0x10080] =	vst v63  }
0x54: {  	_ = 	snop  }
0x55: {  	[tilespmem:s18], [sflag:$0x1] =	stream.indirect_vreg.gather [hbm4b:s6+s2], $0x80, v4, vm0, $0xb8;
	[tilespmem:$0x10080] =	vst v63  }
0x56: {  	_ = 	snop  }
0x57: {  	[tilespmem:s19], [sflag:$0x1] =	stream.indirect_vreg.gather [hbm4b:s3+s2], $0x80, v3, vm0, $0xb8;
	[tilespmem:$0x10080] =	vst v63  }
0x58: {  	_ = 	snop  }
0x59: {  	[tilespmem:s20], [sflag:$0x1] =	stream.indirect_vreg.gather [hbm4b:s4+s2], $0x80, v3, vm0, $0xb8;
	[tilespmem:$0x10080] =	vst v63  }
0x5a: {  	_ = 	snop  }
0x5b: {  	[tilespmem:s21], [sflag:$0x1] =	stream.indirect_vreg.gather [hbm4b:s5+s2], $0x80, v3, vm0, $0xb8;
	[tilespmem:$0x10080] =	vst v63  }
0x5c: {  	_ = 	snop  }
0x5d: {  	[tilespmem:s22], [sflag:$0x1] =	stream.indirect_vreg.gather [hbm4b:s6+s2], $0x80, v3, vm0, $0xb8;
	[tilespmem:$0x10080] =	vst v63  }
0x5e: {  	v3 =	vld [tilespmem:$0x30];
	_ =	sdelay $0x4  }
0x5f: {  	v63 =	vshll.u32 v3, $0x3  }
0x60: {  	v3 =	vand.u32 $0x7, v3;
	v4 =	vand.u32 $0xFFFFFFC0, v63  }
0x61: {  	v3 =	vor.u32 v3, v4  }
0x62: {  	v4 =	vperm.xlane v3, v0;
	_ =	sdelay $0x1  }
0x63: {  	v4 =	vadd.s32 v1, v4;
	_ =	sdelay $0x4  }
0x64: {  	[tilespmem:s23], [sflag:$0x1] =	stream.indirect_vreg.gather [hbm4b:s3+s2], $0x80, v4, vm0, $0xb8;
	[tilespmem:$0x10080] =	vst v63  }
0x65: {  	v3 =	vperm.xlane v3, v2  }
0x66: {  	[tilespmem:s24], [sflag:$0x1] =	stream.indirect_vreg.gather [hbm4b:s4+s2], $0x80, v4, vm0, $0xb8;
	[tilespmem:$0x10080] =	vst v63  }
0x67: {  	v3 =	vadd.s32 v1, v3  }
0x68: {  	[tilespmem:s25], [sflag:$0x1] =	stream.indirect_vreg.gather [hbm4b:s5+s2], $0x80, v4, vm0, $0xb8;
	[tilespmem:$0x10080] =	vst v63  }
0x69: {  	_ = 	snop  }
0x6a: {  	[tilespmem:s26], [sflag:$0x1] =	stream.indirect_vreg.gather [hbm4b:s6+s2], $0x80, v4, vm0, $0xb8;
	[tilespmem:$0x10080] =	vst v63  }
0x6b: {  	_ = 	snop  }
0x6c: {  	[tilespmem:s28], [sflag:$0x1] =	stream.indirect_vreg.gather [hbm4b:s3+s2], $0x80, v3, vm0, $0xb8;
	[tilespmem:$0x10080] =	vst v63  }
0x6d: {  	_ = 	snop  }
0x6e: {  	[tilespmem:s29], [sflag:$0x1] =	stream.indirect_vreg.gather [hbm4b:s4+s2], $0x80, v3, vm0, $0xb8;
	[tilespmem:$0x10080] =	vst v63  }
0x6f: {  	_ = 	snop  }
0x70: {  	[tilespmem:s30], [sflag:$0x1] =	stream.indirect_vreg.gather [hbm4b:s5+s2], $0x80, v3, vm0, $0xb8;
	[tilespmem:$0x10080] =	vst v63  }
0x71: {  	_ = 	snop  }
0x72: {  	[tilespmem:s31], [sflag:$0x1] =	stream.indirect_vreg.gather [hbm4b:s6+s2], $0x80, v3, vm0, $0xb8;
	[tilespmem:$0x10080] =	vst v63  }
0x73: {  	_ =	swait.ge [sflag:s1], $0x10000  }
0x74: {  	p0 =	sne.s32 s7, $0x1;
	[sflag:s1] =	ssyncset.done $0x0  }
.Ltmp0:
0x75: {  	s10 =	rddreg [dreg:$0x4];
	[sflag:s1] =	ssyncadd.s32 $0xFFFF0000;
	(pc) =	sbr.rel @p0 .LBB2_1-.Ltmp0, $4  }
0x76: {  	[hbm4b:s10+s2] =	stream.linear.scatter [tilespmem:s9], [sflag:$0x2], $0x10000, $0x38;
	[tilespmem:$0x10080] =	vst v63  }
0x77: {  	_ =	swait.ge [sflag:s8], $0x10000  }
0x78: {  	[sflag:s8] =	ssyncset.done $0x0  }
0x79: {  	s7 =	sadd.s32 $0xFFFFFFFF, s7;
	[sflag:s8] =	ssyncadd.s32 $0xFFFF0000  }
0x7a: {  	_ =	sfence.sel $0x180000  }
0x7b: {  	[bflag:$0x0] =	sbarrier.arrive $0xFFFF  }
0x7c: {  	_ =	strace $0x9000004A  }
0x7d: {  	s0 =	stileid.u32;
	[bflag:$0x2] =	sbarrier.arrive $0xFFFF  }
0x7e: {  	p0 =	sne.s32 s0, $0x0;
	s0 =	rddreg [dreg:$0x2]  }
0x7f: {  	s0 =	sadd.s32 @!p0 $0x100000, s0  }
0x80: {  	[sflag:s0] =	ssyncadd.tile.s32 @!p0 $0x1;
	_ =	shalt  }
.Lfunc_end2:
_tile_overlayer_lowered:
.L_overlay_start_2:
0x81: {  	(tag) =	ssettag $0x2  }
0x82: {  	s0 =	rddreg [dreg:$0x0];
	s2 =	stileid.u32  }
0x83: {  	s1 =	rddreg [dreg:$0x1];
	p0 =	sne.s32 s2, $0x0  }
0x84: {  	s3 =	rddreg [dreg:$0x2];
	[bflag:$0x3] =	sbarrier.arrive $0xFFFF;
	s2 =	simm.s32 @!p0 $0x1C02  }
0x85: {  	[timem:s3], [sflag:s2] =	dma.local @!p0 [hbm:s0], s1  }
0x86: {  	s0 =	simm.s32 @!p0 $0x2  }
0x87: {  	_ =	swait.ge @!p0 [sflag:s0], s1  }
0x88: {  	s1 =	ssub.s32 @!p0 $0x0, s1;
	[sflag:s0] =	ssyncset.done @!p0 $0x0  }
0x89: {  	[sflag:s0] =	ssyncadd.s32 @!p0 s1  }
0x8a: {  	[bflag:$0x3] =	sbarrier.arrive $0xFFFF  }
0x8b: {  	_ =	shalt  }

</sc_bundles>
